<compile_context>
chip_gen: v7x
topology: tpu7x:2x2x1
jax: 0.10.2.dev20260603
libtpu: 0.0.44.dev20260713+nightly
codegen_flags: <defaults>
</compile_context>

<pallas_src>
import functools

import jax
import jax.numpy as jnp
from jax import lax
from jax.experimental import pallas as pl
from jax.experimental.pallas import tpu as pltpu
from jax.experimental.pallas import tpu_sc as plsc


def _capsule_concat_sc(a1r, a2, ft):
    N, M, D = a2.shape
    R = 1 + 2 * M
    NW = 32
    C = 8
    NBUF = 3
    lo_cnt = N // NW
    n_hi = N - lo_cnt * NW
    n_full = lo_cnt // C
    assert lo_cnt % C == 0 and n_full % NBUF == 0

    mesh = plsc.VectorSubcoreMesh(core_axis_name="c", subcore_axis_name="s")

    @functools.partial(
        pl.kernel,
        mesh=mesh,
        out_type=jax.ShapeDtypeStruct((N, R, D), jnp.float32),
        scratch_types=(
            [pltpu.VMEM((C, R, D), jnp.float32)] * NBUF
            + [pltpu.SemaphoreType.DMA] * (2 * NBUF)
        ),
    )
    def k(a1_hbm, a2_hbm, ft_hbm, out_hbm, *scratch):
        bufs = scratch[:NBUF]
        isems = scratch[NBUF:2 * NBUF]
        osems = scratch[2 * NBUF:]
        wid = lax.axis_index("s") * 2 + lax.axis_index("c")
        base_w = wid * lo_cnt + jnp.minimum(wid, n_hi)

        def in_copies(b, sem, base):
            return (
                pltpu.make_async_copy(
                    a1_hbm.at[pl.ds(base, C)], bufs[b].at[:, pl.ds(0, 1)], sem),
                pltpu.make_async_copy(
                    a2_hbm.at[pl.ds(base, C)], bufs[b].at[:, pl.ds(1, M)], sem),
                pltpu.make_async_copy(
                    ft_hbm.at[pl.ds(base, C)], bufs[b].at[:, pl.ds(1 + M, M)], sem),
            )

        def out_copy(b, base):
            return pltpu.make_async_copy(bufs[b], out_hbm.at[pl.ds(base, C)], osems[b])

        for b in range(NBUF - 1):
            for c in in_copies(b, isems[b], base_w + b * C):
                c.start()

        def body(j, carry):
            i0 = j * NBUF
            for b in range(NBUF):
                i = i0 + b
                base = base_w + i * C
                pb = (b + NBUF - 1) % NBUF

                @pl.when(i + NBUF - 1 < n_full)
                def _prefetch(pb=pb, i=i, base=base):
                    @pl.when(i >= 1)
                    def _drain():
                        out_copy(pb, base - C).wait()
                    for c in in_copies(pb, isems[pb], base + (NBUF - 1) * C):
                        c.start()

                for c in in_copies(b, isems[b], base):
                    c.wait()
                out_copy(b, base).start()
            return carry

        lax.fori_loop(0, n_full // NBUF, body, 0)

        for b in range(NBUF):
            i = n_full - NBUF + b
            out_copy(i % NBUF, base_w + i * C).wait()

        @pl.when(wid < n_hi)
        def _tail():
            base = base_w + n_full * C
            s = isems[0]
            pltpu.make_async_copy(
                a1_hbm.at[pl.ds(base, 1)], bufs[0].at[pl.ds(0, 1), pl.ds(0, 1)], s
            ).start()
            pltpu.make_async_copy(
                a2_hbm.at[pl.ds(base, 1)], bufs[0].at[pl.ds(0, 1), pl.ds(1, M)], s
            ).start()
            c = pltpu.make_async_copy(
                ft_hbm.at[pl.ds(base, 1)], bufs[0].at[pl.ds(0, 1), pl.ds(1 + M, M)], s)
            c.start()
            pltpu.make_async_copy(
                a1_hbm.at[pl.ds(base, 1)], bufs[0].at[pl.ds(0, 1), pl.ds(0, 1)], s
            ).wait()
            pltpu.make_async_copy(
                a2_hbm.at[pl.ds(base, 1)], bufs[0].at[pl.ds(0, 1), pl.ds(1, M)], s
            ).wait()
            c.wait()
            pltpu.sync_copy(bufs[0].at[pl.ds(0, 1)], out_hbm.at[pl.ds(base, 1)])

    return k(a1r, a2, ft)


@jax.jit
def kernel(a1, a2, ft):
    a1r = a1[:, None, :]
    return _capsule_concat_sc(a1r, a2, ft)

# --- scband reference (transcript-rebuilt; emitter-appended) ---
"""Pipeline reference for scband-capsule-33114197852457 (READ-ONLY COPY).

The authoritative reference and input builder live on the scoring server;
editing this copy changes nothing except your own understanding.
"""

import jax, jax.numpy as jnp
import numpy as np


def setup_inputs(seed: int = 0) -> dict:
    key = jax.random.key(seed)
    k1, k2, k3 = jax.random.split(key, 3)
    N, M, D = 10000, 16, 128
    a1 = jax.random.normal(k1, (N, D), dtype=jnp.float32)
    a2 = jax.random.normal(k2, (N, M, D), dtype=jnp.float32)
    ft = jax.random.normal(k3, (N, M, D), dtype=jnp.float32)
    return {"a1": a1, "a2": a2, "ft": ft}


def reference(a1, a2, ft):
    # Original per-node forward (vectorized over N nodes):
    #   a1 = torch.unsqueeze(node['a1'], 0)              -> expand message axis
    #   a2 = torch.cat([unsqueeze(m['a2'],0) for m in msgs], 0)  -> stacked msgs [M, D]
    #   ft = torch.cat([unsqueeze(m['ft'],0) for m in msgs], 0)  -> stacked msgs [M, D]
    # The msgs list-of-dicts is materialized as pre-stacked tensors a2[N,M,D], ft[N,M,D].
    a1e = jnp.expand_dims(a1, 1)                 # [N, 1, D]
    a2s = a2                                     # [N, M, D] (cat of unsqueezed msgs)
    fts = ft                                     # [N, M, D]
    out = jnp.concatenate([a1e, a2s, fts], axis=1)  # [N, 1+2M, D]
    return out

if __name__ == "__main__":
    import jax
    _d = setup_inputs()
    print(jax.jit(kernel)(*tuple(_d.values())))

</pallas_src>

<mosaic_0001>
#map = affine_map<(d0, d1) -> (0, 0, 0)>
module attributes {stable_mosaic.version = 14 : i64} {
  func.func @k(%arg0: i32, %arg1: i32, %arg2: memref<10000x1x128xf32, #tpu.memory_space<hbm>>, %arg3: memref<10000x16x128xf32, #tpu.memory_space<hbm>>, %arg4: memref<10000x16x128xf32, #tpu.memory_space<hbm>>, %arg5: memref<10000x33x128xf32, #tpu.memory_space<hbm>>, %arg6: memref<8x33x128xf32, #tpu.memory_space<vmem>>, %arg7: memref<8x33x128xf32, #tpu.memory_space<vmem>>, %arg8: memref<8x33x128xf32, #tpu.memory_space<vmem>>, %arg9: memref<!tpu.dma_semaphore, #tpu.memory_space<semaphore_mem>>, %arg10: memref<!tpu.dma_semaphore, #tpu.memory_space<semaphore_mem>>, %arg11: memref<!tpu.dma_semaphore, #tpu.memory_space<semaphore_mem>>, %arg12: memref<!tpu.dma_semaphore, #tpu.memory_space<semaphore_mem>>, %arg13: memref<!tpu.dma_semaphore, #tpu.memory_space<semaphore_mem>>, %arg14: memref<!tpu.dma_semaphore, #tpu.memory_space<semaphore_mem>>) attributes {dimension_semantics = [#tpu.dimension_semantics<core_parallel>, #tpu.dimension_semantics<subcore_parallel>], iteration_bounds = array<i64: 2, 16>, scalar_prefetch = 0 : i64, scratch_operands = 9 : i64, tpu.core_type = #tpu.core_type<sc_vector_subcore>, window_params = [{transform_indices = #map}, {transform_indices = #map}, {transform_indices = #map}, {transform_indices = #map}]} {
    %mul3A = arith.constant 2 : i32
    %mul3A_0 = arith.muli %arg1, %mul3A : i32
    %add3A = arith.addi %mul3A_0, %arg0 : i32
    %mul3A_1 = arith.constant 312 : i32
    %mul3A_2 = arith.muli %add3A, %mul3A_1 : i32
    %min3A = arith.constant 16 : i32
    %min3A_3 = arith.minsi %add3A, %min3A : i32
    %add3A_4 = arith.addi %mul3A_2, %min3A_3 : i32
    %add3A_5 = arith.constant 0 : i32
    %add3A_6 = arith.addi %add3A_4, %add3A_5 : i32
    %dma_start3A = arith.constant 0 : i32
    %dma_start3A_7 = arith.constant 0 : i32
    %dma_start3A_8 = arith.constant 0 : i32
    %dma_start3A_9 = tpu.memref_slice %arg6[%dma_start3A, %dma_start3A_7, %dma_start3A_8] : memref<8x33x128xf32, #tpu.memory_space<vmem>> -> memref<8x1x128xf32, #tpu.memory_space<vmem>>
    %dma_start3A_10 = arith.constant 0 : i32
    %dma_start3A_11 = arith.constant 0 : i32
    %dma_start3A_12 = tpu.memref_slice %arg2[%add3A_6, %dma_start3A_10, %dma_start3A_11] : memref<10000x1x128xf32, #tpu.memory_space<hbm>> -> memref<8x1x128xf32, #tpu.memory_space<hbm>>
    %dma_start3A_13 = arith.constant 0 : i32
    %dma_start3A_14 = arith.constant 0 : i32
    %dma_start3A_15 = arith.constant 0 : i32
    %dma_start3A_16 = tpu.memref_slice %arg6[%dma_start3A_13, %dma_start3A_14, %dma_start3A_15] : memref<8x33x128xf32, #tpu.memory_space<vmem>> -> memref<8x1x128xf32, #tpu.memory_space<vmem>>
    %dma_start3A_17 = arith.constant 0 : i32
    %dma_start3A_18 = arith.constant 0 : i32
    %dma_start3A_19 = tpu.memref_slice %arg2[%add3A_6, %dma_start3A_17, %dma_start3A_18] : memref<10000x1x128xf32, #tpu.memory_space<hbm>> -> memref<8x1x128xf32, #tpu.memory_space<hbm>>
    tpu.enqueue_dma source(%dma_start3A_19 : memref<8x1x128xf32, #tpu.memory_space<hbm>>) target(%dma_start3A_16 : memref<8x1x128xf32, #tpu.memory_space<vmem>>) target_semaphore(%arg9 : memref<!tpu.dma_semaphore, #tpu.memory_space<semaphore_mem>>)
    %dma_start3A_20 = arith.constant 0 : i32
    %dma_start3A_21 = arith.constant 1 : i32
    %dma_start3A_22 = arith.constant 0 : i32
    %dma_start3A_23 = tpu.memref_slice %arg6[%dma_start3A_20, %dma_start3A_21, %dma_start3A_22] : memref<8x33x128xf32, #tpu.memory_space<vmem>> -> memref<8x16x128xf32, #tpu.memory_space<vmem>>
    %dma_start3A_24 = arith.constant 0 : i32
    %dma_start3A_25 = arith.constant 0 : i32
    %dma_start3A_26 = tpu.memref_slice %arg3[%add3A_6, %dma_start3A_24, %dma_start3A_25] : memref<10000x16x128xf32, #tpu.memory_space<hbm>> -> memref<8x16x128xf32, #tpu.memory_space<hbm>>
    %dma_start3A_27 = arith.constant 0 : i32
    %dma_start3A_28 = arith.constant 1 : i32
    %dma_start3A_29 = arith.constant 0 : i32
    %dma_start3A_30 = tpu.memref_slice %arg6[%dma_start3A_27, %dma_start3A_28, %dma_start3A_29] : memref<8x33x128xf32, #tpu.memory_space<vmem>> -> memref<8x16x128xf32, #tpu.memory_space<vmem>>
    %dma_start3A_31 = arith.constant 0 : i32
    %dma_start3A_32 = arith.constant 0 : i32
    %dma_start3A_33 = tpu.memref_slice %arg3[%add3A_6, %dma_start3A_31, %dma_start3A_32] : memref<10000x16x128xf32, #tpu.memory_space<hbm>> -> memref<8x16x128xf32, #tpu.memory_space<hbm>>
    tpu.enqueue_dma source(%dma_start3A_33 : memref<8x16x128xf32, #tpu.memory_space<hbm>>) target(%dma_start3A_30 : memref<8x16x128xf32, #tpu.memory_space<vmem>>) target_semaphore(%arg9 : memref<!tpu.dma_semaphore, #tpu.memory_space<semaphore_mem>>)
    %dma_start3A_34 = arith.constant 0 : i32
    %dma_start3A_35 = arith.constant 17 : i32
    %dma_start3A_36 = arith.constant 0 : i32
    %dma_start3A_37 = tpu.memref_slice %arg6[%dma_start3A_34, %dma_start3A_35, %dma_start3A_36] : memref<8x33x128xf32, #tpu.memory_space<vmem>> -> memref<8x16x128xf32, #tpu.memory_space<vmem>>
    %dma_start3A_38 = arith.constant 0 : i32
    %dma_start3A_39 = arith.constant 0 : i32
    %dma_start3A_40 = tpu.memref_slice %arg4[%add3A_6, %dma_start3A_38, %dma_start3A_39] : memref<10000x16x128xf32, #tpu.memory_space<hbm>> -> memref<8x16x128xf32, #tpu.memory_space<hbm>>
    %dma_start3A_41 = arith.constant 0 : i32
    %dma_start3A_42 = arith.constant 17 : i32
    %dma_start3A_43 = arith.constant 0 : i32
    %dma_start3A_44 = tpu.memref_slice %arg6[%dma_start3A_41, %dma_start3A_42, %dma_start3A_43] : memref<8x33x128xf32, #tpu.memory_space<vmem>> -> memref<8x16x128xf32, #tpu.memory_space<vmem>>
    %dma_start3A_45 = arith.constant 0 : i32
    %dma_start3A_46 = arith.constant 0 : i32
    %dma_start3A_47 = tpu.memref_slice %arg4[%add3A_6, %dma_start3A_45, %dma_start3A_46] : memref<10000x16x128xf32, #tpu.memory_space<hbm>> -> memref<8x16x128xf32, #tpu.memory_space<hbm>>
    tpu.enqueue_dma source(%dma_start3A_47 : memref<8x16x128xf32, #tpu.memory_space<hbm>>) target(%dma_start3A_44 : memref<8x16x128xf32, #tpu.memory_space<vmem>>) target_semaphore(%arg9 : memref<!tpu.dma_semaphore, #tpu.memory_space<semaphore_mem>>)
    %add3A_48 = arith.constant 8 : i32
    %add3A_49 = arith.addi %add3A_4, %add3A_48 : i32
    %dma_start3A_50 = arith.constant 0 : i32
    %dma_start3A_51 = arith.constant 0 : i32
    %dma_start3A_52 = arith.constant 0 : i32
    %dma_start3A_53 = tpu.memref_slice %arg7[%dma_start3A_50, %dma_start3A_51, %dma_start3A_52] : memref<8x33x128xf32, #tpu.memory_space<vmem>> -> memref<8x1x128xf32, #tpu.memory_space<vmem>>
    %dma_start3A_54 = arith.constant 0 : i32
    %dma_start3A_55 = arith.constant 0 : i32
    %dma_start3A_56 = tpu.memref_slice %arg2[%add3A_49, %dma_start3A_54, %dma_start3A_55] : memref<10000x1x128xf32, #tpu.memory_space<hbm>> -> memref<8x1x128xf32, #tpu.memory_space<hbm>>
    %dma_start3A_57 = arith.constant 0 : i32
    %dma_start3A_58 = arith.constant 0 : i32
    %dma_start3A_59 = arith.constant 0 : i32
    %dma_start3A_60 = tpu.memref_slice %arg7[%dma_start3A_57, %dma_start3A_58, %dma_start3A_59] : memref<8x33x128xf32, #tpu.memory_space<vmem>> -> memref<8x1x128xf32, #tpu.memory_space<vmem>>
    %dma_start3A_61 = arith.constant 0 : i32
    %dma_start3A_62 = arith.constant 0 : i32
    %dma_start3A_63 = tpu.memref_slice %arg2[%add3A_49, %dma_start3A_61, %dma_start3A_62] : memref<10000x1x128xf32, #tpu.memory_space<hbm>> -> memref<8x1x128xf32, #tpu.memory_space<hbm>>
    tpu.enqueue_dma source(%dma_start3A_63 : memref<8x1x128xf32, #tpu.memory_space<hbm>>) target(%dma_start3A_60 : memref<8x1x128xf32, #tpu.memory_space<vmem>>) target_semaphore(%arg10 : memref<!tpu.dma_semaphore, #tpu.memory_space<semaphore_mem>>)
    %dma_start3A_64 = arith.constant 0 : i32
    %dma_start3A_65 = arith.constant 1 : i32
    %dma_start3A_66 = arith.constant 0 : i32
    %dma_start3A_67 = tpu.memref_slice %arg7[%dma_start3A_64, %dma_start3A_65, %dma_start3A_66] : memref<8x33x128xf32, #tpu.memory_space<vmem>> -> memref<8x16x128xf32, #tpu.memory_space<vmem>>
    %dma_start3A_68 = arith.constant 0 : i32
    %dma_start3A_69 = arith.constant 0 : i32
    %dma_start3A_70 = tpu.memref_slice %arg3[%add3A_49, %dma_start3A_68, %dma_start3A_69] : memref<10000x16x128xf32, #tpu.memory_space<hbm>> -> memref<8x16x128xf32, #tpu.memory_space<hbm>>
    %dma_start3A_71 = arith.constant 0 : i32
    %dma_start3A_72 = arith.constant 1 : i32
    %dma_start3A_73 = arith.constant 0 : i32
    %dma_start3A_74 = tpu.memref_slice %arg7[%dma_start3A_71, %dma_start3A_72, %dma_start3A_73] : memref<8x33x128xf32, #tpu.memory_space<vmem>> -> memref<8x16x128xf32, #tpu.memory_space<vmem>>
    %dma_start3A_75 = arith.constant 0 : i32
    %dma_start3A_76 = arith.constant 0 : i32
    %dma_start3A_77 = tpu.memref_slice %arg3[%add3A_49, %dma_start3A_75, %dma_start3A_76] : memref<10000x16x128xf32, #tpu.memory_space<hbm>> -> memref<8x16x128xf32, #tpu.memory_space<hbm>>
    tpu.enqueue_dma source(%dma_start3A_77 : memref<8x16x128xf32, #tpu.memory_space<hbm>>) target(%dma_start3A_74 : memref<8x16x128xf32, #tpu.memory_space<vmem>>) target_semaphore(%arg10 : memref<!tpu.dma_semaphore, #tpu.memory_space<semaphore_mem>>)
    %dma_start3A_78 = arith.constant 0 : i32
    %dma_start3A_79 = arith.constant 17 : i32
    %dma_start3A_80 = arith.constant 0 : i32
    %dma_start3A_81 = tpu.memref_slice %arg7[%dma_start3A_78, %dma_start3A_79, %dma_start3A_80] : memref<8x33x128xf32, #tpu.memory_space<vmem>> -> memref<8x16x128xf32, #tpu.memory_space<vmem>>
    %dma_start3A_82 = arith.constant 0 : i32
    %dma_start3A_83 = arith.constant 0 : i32
    %dma_start3A_84 = tpu.memref_slice %arg4[%add3A_49, %dma_start3A_82, %dma_start3A_83] : memref<10000x16x128xf32, #tpu.memory_space<hbm>> -> memref<8x16x128xf32, #tpu.memory_space<hbm>>
    %dma_start3A_85 = arith.constant 0 : i32
    %dma_start3A_86 = arith.constant 17 : i32
    %dma_start3A_87 = arith.constant 0 : i32
    %dma_start3A_88 = tpu.memref_slice %arg7[%dma_start3A_85, %dma_start3A_86, %dma_start3A_87] : memref<8x33x128xf32, #tpu.memory_space<vmem>> -> memref<8x16x128xf32, #tpu.memory_space<vmem>>
    %dma_start3A_89 = arith.constant 0 : i32
    %dma_start3A_90 = arith.constant 0 : i32
    %dma_start3A_91 = tpu.memref_slice %arg4[%add3A_49, %dma_start3A_89, %dma_start3A_90] : memref<10000x16x128xf32, #tpu.memory_space<hbm>> -> memref<8x16x128xf32, #tpu.memory_space<hbm>>
    tpu.enqueue_dma source(%dma_start3A_91 : memref<8x16x128xf32, #tpu.memory_space<hbm>>) target(%dma_start3A_88 : memref<8x16x128xf32, #tpu.memory_space<vmem>>) target_semaphore(%arg10 : memref<!tpu.dma_semaphore, #tpu.memory_space<semaphore_mem>>)
    %scan3A = arith.constant 0 : i32
    %scan3A_92 = arith.constant 0 : i32
    %scan3A_93 = arith.constant 13 : i32
    %scan3A_94 = arith.addi %scan3A_92, %scan3A_93 : i32
    %scan3A_95 = arith.constant 1 : i32
    scf.for %scan3A_122 = %scan3A_92 to %scan3A_94 step %scan3A_95  : i32 {
      %mul3A_123 = arith.constant 3 : i32
      %mul3A_124 = arith.muli %scan3A_122, %mul3A_123 : i32
      %add3A_125 = arith.constant 0 : i32
      %add3A_126 = arith.addi %mul3A_124, %add3A_125 : i32
      %mul3A_127 = arith.constant 8 : i32
      %mul3A_128 = arith.muli %add3A_126, %mul3A_127 : i32
      %add3A_129 = arith.addi %add3A_4, %mul3A_128 : i32
      %add3A_130 = arith.constant 3 : i32
      %add3A_131 = arith.addi %add3A_126, %add3A_130 : i32
      %sub3A = arith.constant 1 : i32
      %sub3A_132 = arith.subi %add3A_131, %sub3A : i32
      %lt3A_133 = arith.constant 39 : i32
      %lt3A_134 = arith.cmpi slt, %sub3A_132, %lt3A_133 : i32
      %convert_element_type3A_135 = arith.extui %lt3A_134 : i1 to i32
      %cond3A_136 = arith.constant 0 : i32
      %cond3A_137 = arith.cmpi ne, %convert_element_type3A_135, %cond3A_136 : i32
      scf.if %cond3A_137 {
        %ge3A = arith.constant 1 : i32
        %ge3A_310 = arith.cmpi sge, %add3A_126, %ge3A : i32
        %convert_element_type3A_311 = arith.extui %ge3A_310 : i1 to i32
        %cond3A_312 = arith.constant 0 : i32
        %cond3A_313 = arith.cmpi ne, %convert_element_type3A_311, %cond3A_312 : i32
        scf.if %cond3A_313 {
          %sub3A_358 = arith.constant 8 : i32
          %sub3A_359 = arith.subi %add3A_129, %sub3A_358 : i32
          %dma_wait3A_360 = arith.constant 0 : i32
          %dma_wait3A_361 = arith.constant 0 : i32
          %dma_wait3A_362 = tpu.memref_slice %arg5[%sub3A_359, %dma_wait3A_360, %dma_wait3A_361] : memref<10000x33x128xf32, #tpu.memory_space<hbm>> -> memref<8x33x128xf32, #tpu.memory_space<hbm>>
          %dma_wait3A_363 = arith.constant 0 : i32
          %dma_wait3A_364 = arith.constant 0 : i32
          %dma_wait3A_365 = tpu.memref_slice %arg5[%sub3A_359, %dma_wait3A_363, %dma_wait3A_364] : memref<10000x33x128xf32, #tpu.memory_space<hbm>> -> memref<8x33x128xf32, #tpu.memory_space<hbm>>
          tpu.wait_dma2 semaphore(%arg14 : memref<!tpu.dma_semaphore, #tpu.memory_space<semaphore_mem>>) src(%arg8 : memref<8x33x128xf32, #tpu.memory_space<vmem>>) dst(%dma_wait3A_365 : memref<8x33x128xf32, #tpu.memory_space<hbm>>)
        } else {
        }
        %add3A_314 = arith.constant 16 : i32
        %add3A_315 = arith.addi %add3A_129, %add3A_314 : i32
        %dma_start3A_316 = arith.constant 0 : i32
        %dma_start3A_317 = arith.constant 0 : i32
        %dma_start3A_318 = arith.constant 0 : i32
        %dma_start3A_319 = tpu.memref_slice %arg8[%dma_start3A_316, %dma_start3A_317, %dma_start3A_318] : memref<8x33x128xf32, #tpu.memory_space<vmem>> -> memref<8x1x128xf32, #tpu.memory_space<vmem>>
        %dma_start3A_320 = arith.constant 0 : i32
        %dma_start3A_321 = arith.constant 0 : i32
        %dma_start3A_322 = tpu.memref_slice %arg2[%add3A_315, %dma_start3A_320, %dma_start3A_321] : memref<10000x1x128xf32, #tpu.memory_space<hbm>> -> memref<8x1x128xf32, #tpu.memory_space<hbm>>
        %dma_start3A_323 = arith.constant 0 : i32
        %dma_start3A_324 = arith.constant 0 : i32
        %dma_start3A_325 = arith.constant 0 : i32
        %dma_start3A_326 = tpu.memref_slice %arg8[%dma_start3A_323, %dma_start3A_324, %dma_start3A_325] : memref<8x33x128xf32, #tpu.memory_space<vmem>> -> memref<8x1x128xf32, #tpu.memory_space<vmem>>
        %dma_start3A_327 = arith.constant 0 : i32
        %dma_start3A_328 = arith.constant 0 : i32
        %dma_start3A_329 = tpu.memref_slice %arg2[%add3A_315, %dma_start3A_327, %dma_start3A_328] : memref<10000x1x128xf32, #tpu.memory_space<hbm>> -> memref<8x1x128xf32, #tpu.memory_space<hbm>>
        tpu.enqueue_dma source(%dma_start3A_329 : memref<8x1x128xf32, #tpu.memory_space<hbm>>) target(%dma_start3A_326 : memref<8x1x128xf32, #tpu.memory_space<vmem>>) target_semaphore(%arg11 : memref<!tpu.dma_semaphore, #tpu.memory_space<semaphore_mem>>)
        %dma_start3A_330 = arith.constant 0 : i32
        %dma_start3A_331 = arith.constant 1 : i32
        %dma_start3A_332 = arith.constant 0 : i32
        %dma_start3A_333 = tpu.memref_slice %arg8[%dma_start3A_330, %dma_start3A_331, %dma_start3A_332] : memref<8x33x128xf32, #tpu.memory_space<vmem>> -> memref<8x16x128xf32, #tpu.memory_space<vmem>>
        %dma_start3A_334 = arith.constant 0 : i32
        %dma_start3A_335 = arith.constant 0 : i32
        %dma_start3A_336 = tpu.memref_slice %arg3[%add3A_315, %dma_start3A_334, %dma_start3A_335] : memref<10000x16x128xf32, #tpu.memory_space<hbm>> -> memref<8x16x128xf32, #tpu.memory_space<hbm>>
        %dma_start3A_337 = arith.constant 0 : i32
        %dma_start3A_338 = arith.constant 1 : i32
        %dma_start3A_339 = arith.constant 0 : i32
        %dma_start3A_340 = tpu.memref_slice %arg8[%dma_start3A_337, %dma_start3A_338, %dma_start3A_339] : memref<8x33x128xf32, #tpu.memory_space<vmem>> -> memref<8x16x128xf32, #tpu.memory_space<vmem>>
        %dma_start3A_341 = arith.constant 0 : i32
        %dma_start3A_342 = arith.constant 0 : i32
        %dma_start3A_343 = tpu.memref_slice %arg3[%add3A_315, %dma_start3A_341, %dma_start3A_342] : memref<10000x16x128xf32, #tpu.memory_space<hbm>> -> memref<8x16x128xf32, #tpu.memory_space<hbm>>
        tpu.enqueue_dma source(%dma_start3A_343 : memref<8x16x128xf32, #tpu.memory_space<hbm>>) target(%dma_start3A_340 : memref<8x16x128xf32, #tpu.memory_space<vmem>>) target_semaphore(%arg11 : memref<!tpu.dma_semaphore, #tpu.memory_space<semaphore_mem>>)
        %dma_start3A_344 = arith.constant 0 : i32
        %dma_start3A_345 = arith.constant 17 : i32
        %dma_start3A_346 = arith.constant 0 : i32
        %dma_start3A_347 = tpu.memref_slice %arg8[%dma_start3A_344, %dma_start3A_345, %dma_start3A_346] : memref<8x33x128xf32, #tpu.memory_space<vmem>> -> memref<8x16x128xf32, #tpu.memory_space<vmem>>
        %dma_start3A_348 = arith.constant 0 : i32
        %dma_start3A_349 = arith.constant 0 : i32
        %dma_start3A_350 = tpu.memref_slice %arg4[%add3A_315, %dma_start3A_348, %dma_start3A_349] : memref<10000x16x128xf32, #tpu.memory_space<hbm>> -> memref<8x16x128xf32, #tpu.memory_space<hbm>>
        %dma_start3A_351 = arith.constant 0 : i32
        %dma_start3A_352 = arith.constant 17 : i32
        %dma_start3A_353 = arith.constant 0 : i32
        %dma_start3A_354 = tpu.memref_slice %arg8[%dma_start3A_351, %dma_start3A_352, %dma_start3A_353] : memref<8x33x128xf32, #tpu.memory_space<vmem>> -> memref<8x16x128xf32, #tpu.memory_space<vmem>>
        %dma_start3A_355 = arith.constant 0 : i32
        %dma_start3A_356 = arith.constant 0 : i32
        %dma_start3A_357 = tpu.memref_slice %arg4[%add3A_315, %dma_start3A_355, %dma_start3A_356] : memref<10000x16x128xf32, #tpu.memory_space<hbm>> -> memref<8x16x128xf32, #tpu.memory_space<hbm>>
        tpu.enqueue_dma source(%dma_start3A_357 : memref<8x16x128xf32, #tpu.memory_space<hbm>>) target(%dma_start3A_354 : memref<8x16x128xf32, #tpu.memory_space<vmem>>) target_semaphore(%arg11 : memref<!tpu.dma_semaphore, #tpu.memory_space<semaphore_mem>>)
      } else {
      }
      %dma_wait3A_138 = arith.constant 0 : i32
      %dma_wait3A_139 = arith.constant 0 : i32
      %dma_wait3A_140 = arith.constant 0 : i32
      %dma_wait3A_141 = tpu.memref_slice %arg6[%dma_wait3A_138, %dma_wait3A_139, %dma_wait3A_140] : memref<8x33x128xf32, #tpu.memory_space<vmem>> -> memref<8x1x128xf32, #tpu.memory_space<vmem>>
      %dma_wait3A_142 = arith.constant 0 : i32
      %dma_wait3A_143 = arith.constant 0 : i32
      %dma_wait3A_144 = tpu.memref_slice %arg2[%add3A_129, %dma_wait3A_142, %dma_wait3A_143] : memref<10000x1x128xf32, #tpu.memory_space<hbm>> -> memref<8x1x128xf32, #tpu.memory_space<hbm>>
      %dma_wait3A_145 = arith.constant 0 : i32
      %dma_wait3A_146 = arith.constant 0 : i32
      %dma_wait3A_147 = arith.constant 0 : i32
      %dma_wait3A_148 = tpu.memref_slice %arg6[%dma_wait3A_145, %dma_wait3A_146, %dma_wait3A_147] : memref<8x33x128xf32, #tpu.memory_space<vmem>> -> memref<8x1x128xf32, #tpu.memory_space<vmem>>
      %dma_wait3A_149 = arith.constant 0 : i32
      %dma_wait3A_150 = arith.constant 0 : i32
      %dma_wait3A_151 = tpu.memref_slice %arg2[%add3A_129, %dma_wait3A_149, %dma_wait3A_150] : memref<10000x1x128xf32, #tpu.memory_space<hbm>> -> memref<8x1x128xf32, #tpu.memory_space<hbm>>
      tpu.wait_dma2 semaphore(%arg9 : memref<!tpu.dma_semaphore, #tpu.memory_space<semaphore_mem>>) src(%dma_wait3A_151 : memref<8x1x128xf32, #tpu.memory_space<hbm>>) dst(%dma_wait3A_148 : memref<8x1x128xf32, #tpu.memory_space<vmem>>)
      %dma_wait3A_152 = arith.constant 0 : i32
      %dma_wait3A_153 = arith.constant 1 : i32
      %dma_wait3A_154 = arith.constant 0 : i32
      %dma_wait3A_155 = tpu.memref_slice %arg6[%dma_wait3A_152, %dma_wait3A_153, %dma_wait3A_154] : memref<8x33x128xf32, #tpu.memory_space<vmem>> -> memref<8x16x128xf32, #tpu.memory_space<vmem>>
      %dma_wait3A_156 = arith.constant 0 : i32
      %dma_wait3A_157 = arith.constant 0 : i32
      %dma_wait3A_158 = tpu.memref_slice %arg3[%add3A_129, %dma_wait3A_156, %dma_wait3A_157] : memref<10000x16x128xf32, #tpu.memory_space<hbm>> -> memref<8x16x128xf32, #tpu.memory_space<hbm>>
      %dma_wait3A_159 = arith.constant 0 : i32
      %dma_wait3A_160 = arith.constant 1 : i32
      %dma_wait3A_161 = arith.constant 0 : i32
      %dma_wait3A_162 = tpu.memref_slice %arg6[%dma_wait3A_159, %dma_wait3A_160, %dma_wait3A_161] : memref<8x33x128xf32, #tpu.memory_space<vmem>> -> memref<8x16x128xf32, #tpu.memory_space<vmem>>
      %dma_wait3A_163 = arith.constant 0 : i32
      %dma_wait3A_164 = arith.constant 0 : i32
      %dma_wait3A_165 = tpu.memref_slice %arg3[%add3A_129, %dma_wait3A_163, %dma_wait3A_164] : memref<10000x16x128xf32, #tpu.memory_space<hbm>> -> memref<8x16x128xf32, #tpu.memory_space<hbm>>
      tpu.wait_dma2 semaphore(%arg9 : memref<!tpu.dma_semaphore, #tpu.memory_space<semaphore_mem>>) src(%dma_wait3A_165 : memref<8x16x128xf32, #tpu.memory_space<hbm>>) dst(%dma_wait3A_162 : memref<8x16x128xf32, #tpu.memory_space<vmem>>)
      %dma_wait3A_166 = arith.constant 0 : i32
      %dma_wait3A_167 = arith.constant 17 : i32
      %dma_wait3A_168 = arith.constant 0 : i32
      %dma_wait3A_169 = tpu.memref_slice %arg6[%dma_wait3A_166, %dma_wait3A_167, %dma_wait3A_168] : memref<8x33x128xf32, #tpu.memory_space<vmem>> -> memref<8x16x128xf32, #tpu.memory_space<vmem>>
      %dma_wait3A_170 = arith.constant 0 : i32
      %dma_wait3A_171 = arith.constant 0 : i32
      %dma_wait3A_172 = tpu.memref_slice %arg4[%add3A_129, %dma_wait3A_170, %dma_wait3A_171] : memref<10000x16x128xf32, #tpu.memory_space<hbm>> -> memref<8x16x128xf32, #tpu.memory_space<hbm>>
      %dma_wait3A_173 = arith.constant 0 : i32
      %dma_wait3A_174 = arith.constant 17 : i32
      %dma_wait3A_175 = arith.constant 0 : i32
      %dma_wait3A_176 = tpu.memref_slice %arg6[%dma_wait3A_173, %dma_wait3A_174, %dma_wait3A_175] : memref<8x33x128xf32, #tpu.memory_space<vmem>> -> memref<8x16x128xf32, #tpu.memory_space<vmem>>
      %dma_wait3A_177 = arith.constant 0 : i32
      %dma_wait3A_178 = arith.constant 0 : i32
      %dma_wait3A_179 = tpu.memref_slice %arg4[%add3A_129, %dma_wait3A_177, %dma_wait3A_178] : memref<10000x16x128xf32, #tpu.memory_space<hbm>> -> memref<8x16x128xf32, #tpu.memory_space<hbm>>
      tpu.wait_dma2 semaphore(%arg9 : memref<!tpu.dma_semaphore, #tpu.memory_space<semaphore_mem>>) src(%dma_wait3A_179 : memref<8x16x128xf32, #tpu.memory_space<hbm>>) dst(%dma_wait3A_176 : memref<8x16x128xf32, #tpu.memory_space<vmem>>)
      %dma_start3A_180 = arith.constant 0 : i32
      %dma_start3A_181 = arith.constant 0 : i32
      %dma_start3A_182 = tpu.memref_slice %arg5[%add3A_129, %dma_start3A_180, %dma_start3A_181] : memref<10000x33x128xf32, #tpu.memory_space<hbm>> -> memref<8x33x128xf32, #tpu.memory_space<hbm>>
      %dma_start3A_183 = arith.constant 0 : i32
      %dma_start3A_184 = arith.constant 0 : i32
      %dma_start3A_185 = tpu.memref_slice %arg5[%add3A_129, %dma_start3A_183, %dma_start3A_184] : memref<10000x33x128xf32, #tpu.memory_space<hbm>> -> memref<8x33x128xf32, #tpu.memory_space<hbm>>
      tpu.enqueue_dma source(%arg6 : memref<8x33x128xf32, #tpu.memory_space<vmem>>) target(%dma_start3A_185 : memref<8x33x128xf32, #tpu.memory_space<hbm>>) target_semaphore(%arg12 : memref<!tpu.dma_semaphore, #tpu.memory_space<semaphore_mem>>)
      %add3A_186 = arith.constant 1 : i32
      %add3A_187 = arith.addi %mul3A_124, %add3A_186 : i32
      %mul3A_188 = arith.constant 8 : i32
      %mul3A_189 = arith.muli %add3A_187, %mul3A_188 : i32
      %add3A_190 = arith.addi %add3A_4, %mul3A_189 : i32
      %add3A_191 = arith.constant 3 : i32
      %add3A_192 = arith.addi %add3A_187, %add3A_191 : i32
      %sub3A_193 = arith.constant 1 : i32
      %sub3A_194 = arith.subi %add3A_192, %sub3A_193 : i32
      %lt3A_195 = arith.constant 39 : i32
      %lt3A_196 = arith.cmpi slt, %sub3A_194, %lt3A_195 : i32
      %convert_element_type3A_197 = arith.extui %lt3A_196 : i1 to i32
      %cond3A_198 = arith.constant 0 : i32
      %cond3A_199 = arith.cmpi ne, %convert_element_type3A_197, %cond3A_198 : i32
      scf.if %cond3A_199 {
        %ge3A = arith.constant 1 : i32
        %ge3A_310 = arith.cmpi sge, %add3A_187, %ge3A : i32
        %convert_element_type3A_311 = arith.extui %ge3A_310 : i1 to i32
        %cond3A_312 = arith.constant 0 : i32
        %cond3A_313 = arith.cmpi ne, %convert_element_type3A_311, %cond3A_312 : i32
        scf.if %cond3A_313 {
          %sub3A_358 = arith.constant 8 : i32
          %sub3A_359 = arith.subi %add3A_190, %sub3A_358 : i32
          %dma_wait3A_360 = arith.constant 0 : i32
          %dma_wait3A_361 = arith.constant 0 : i32
          %dma_wait3A_362 = tpu.memref_slice %arg5[%sub3A_359, %dma_wait3A_360, %dma_wait3A_361] : memref<10000x33x128xf32, #tpu.memory_space<hbm>> -> memref<8x33x128xf32, #tpu.memory_space<hbm>>
          %dma_wait3A_363 = arith.constant 0 : i32
          %dma_wait3A_364 = arith.constant 0 : i32
          %dma_wait3A_365 = tpu.memref_slice %arg5[%sub3A_359, %dma_wait3A_363, %dma_wait3A_364] : memref<10000x33x128xf32, #tpu.memory_space<hbm>> -> memref<8x33x128xf32, #tpu.memory_space<hbm>>
          tpu.wait_dma2 semaphore(%arg12 : memref<!tpu.dma_semaphore, #tpu.memory_space<semaphore_mem>>) src(%arg6 : memref<8x33x128xf32, #tpu.memory_space<vmem>>) dst(%dma_wait3A_365 : memref<8x33x128xf32, #tpu.memory_space<hbm>>)
        } else {
        }
        %add3A_314 = arith.constant 16 : i32
        %add3A_315 = arith.addi %add3A_190, %add3A_314 : i32
        %dma_start3A_316 = arith.constant 0 : i32
        %dma_start3A_317 = arith.constant 0 : i32
        %dma_start3A_318 = arith.constant 0 : i32
        %dma_start3A_319 = tpu.memref_slice %arg6[%dma_start3A_316, %dma_start3A_317, %dma_start3A_318] : memref<8x33x128xf32, #tpu.memory_space<vmem>> -> memref<8x1x128xf32, #tpu.memory_space<vmem>>
        %dma_start3A_320 = arith.constant 0 : i32
        %dma_start3A_321 = arith.constant 0 : i32
        %dma_start3A_322 = tpu.memref_slice %arg2[%add3A_315, %dma_start3A_320, %dma_start3A_321] : memref<10000x1x128xf32, #tpu.memory_space<hbm>> -> memref<8x1x128xf32, #tpu.memory_space<hbm>>
        %dma_start3A_323 = arith.constant 0 : i32
        %dma_start3A_324 = arith.constant 0 : i32
        %dma_start3A_325 = arith.constant 0 : i32
        %dma_start3A_326 = tpu.memref_slice %arg6[%dma_start3A_323, %dma_start3A_324, %dma_start3A_325] : memref<8x33x128xf32, #tpu.memory_space<vmem>> -> memref<8x1x128xf32, #tpu.memory_space<vmem>>
        %dma_start3A_327 = arith.constant 0 : i32
        %dma_start3A_328 = arith.constant 0 : i32
        %dma_start3A_329 = tpu.memref_slice %arg2[%add3A_315, %dma_start3A_327, %dma_start3A_328] : memref<10000x1x128xf32, #tpu.memory_space<hbm>> -> memref<8x1x128xf32, #tpu.memory_space<hbm>>
        tpu.enqueue_dma source(%dma_start3A_329 : memref<8x1x128xf32, #tpu.memory_space<hbm>>) target(%dma_start3A_326 : memref<8x1x128xf32, #tpu.memory_space<vmem>>) target_semaphore(%arg9 : memref<!tpu.dma_semaphore, #tpu.memory_space<semaphore_mem>>)
        %dma_start3A_330 = arith.constant 0 : i32
        %dma_start3A_331 = arith.constant 1 : i32
        %dma_start3A_332 = arith.constant 0 : i32
        %dma_start3A_333 = tpu.memref_slice %arg6[%dma_start3A_330, %dma_start3A_331, %dma_start3A_332] : memref<8x33x128xf32, #tpu.memory_space<vmem>> -> memref<8x16x128xf32, #tpu.memory_space<vmem>>
        %dma_start3A_334 = arith.constant 0 : i32
        %dma_start3A_335 = arith.constant 0 : i32
        %dma_start3A_336 = tpu.memref_slice %arg3[%add3A_315, %dma_start3A_334, %dma_start3A_335] : memref<10000x16x128xf32, #tpu.memory_space<hbm>> -> memref<8x16x128xf32, #tpu.memory_space<hbm>>
        %dma_start3A_337 = arith.constant 0 : i32
        %dma_start3A_338 = arith.constant 1 : i32
        %dma_start3A_339 = arith.constant 0 : i32
        %dma_start3A_340 = tpu.memref_slice %arg6[%dma_start3A_337, %dma_start3A_338, %dma_start3A_339] : memref<8x33x128xf32, #tpu.memory_space<vmem>> -> memref<8x16x128xf32, #tpu.memory_space<vmem>>
        %dma_start3A_341 = arith.constant 0 : i32
        %dma_start3A_342 = arith.constant 0 : i32
        %dma_start3A_343 = tpu.memref_slice %arg3[%add3A_315, %dma_start3A_341, %dma_start3A_342] : memref<10000x16x128xf32, #tpu.memory_space<hbm>> -> memref<8x16x128xf32, #tpu.memory_space<hbm>>
        tpu.enqueue_dma source(%dma_start3A_343 : memref<8x16x128xf32, #tpu.memory_space<hbm>>) target(%dma_start3A_340 : memref<8x16x128xf32, #tpu.memory_space<vmem>>) target_semaphore(%arg9 : memref<!tpu.dma_semaphore, #tpu.memory_space<semaphore_mem>>)
        %dma_start3A_344 = arith.constant 0 : i32
        %dma_start3A_345 = arith.constant 17 : i32
        %dma_start3A_346 = arith.constant 0 : i32
        %dma_start3A_347 = tpu.memref_slice %arg6[%dma_start3A_344, %dma_start3A_345, %dma_start3A_346] : memref<8x33x128xf32, #tpu.memory_space<vmem>> -> memref<8x16x128xf32, #tpu.memory_space<vmem>>
        %dma_start3A_348 = arith.constant 0 : i32
        %dma_start3A_349 = arith.constant 0 : i32
        %dma_start3A_350 = tpu.memref_slice %arg4[%add3A_315, %dma_start3A_348, %dma_start3A_349] : memref<10000x16x128xf32, #tpu.memory_space<hbm>> -> memref<8x16x128xf32, #tpu.memory_space<hbm>>
        %dma_start3A_351 = arith.constant 0 : i32
        %dma_start3A_352 = arith.constant 17 : i32
        %dma_start3A_353 = arith.constant 0 : i32
        %dma_start3A_354 = tpu.memref_slice %arg6[%dma_start3A_351, %dma_start3A_352, %dma_start3A_353] : memref<8x33x128xf32, #tpu.memory_space<vmem>> -> memref<8x16x128xf32, #tpu.memory_space<vmem>>
        %dma_start3A_355 = arith.constant 0 : i32
        %dma_start3A_356 = arith.constant 0 : i32
        %dma_start3A_357 = tpu.memref_slice %arg4[%add3A_315, %dma_start3A_355, %dma_start3A_356] : memref<10000x16x128xf32, #tpu.memory_space<hbm>> -> memref<8x16x128xf32, #tpu.memory_space<hbm>>
        tpu.enqueue_dma source(%dma_start3A_357 : memref<8x16x128xf32, #tpu.memory_space<hbm>>) target(%dma_start3A_354 : memref<8x16x128xf32, #tpu.memory_space<vmem>>) target_semaphore(%arg9 : memref<!tpu.dma_semaphore, #tpu.memory_space<semaphore_mem>>)
      } else {
      }
      %dma_wait3A_200 = arith.constant 0 : i32
      %dma_wait3A_201 = arith.constant 0 : i32
      %dma_wait3A_202 = arith.constant 0 : i32
      %dma_wait3A_203 = tpu.memref_slice %arg7[%dma_wait3A_200, %dma_wait3A_201, %dma_wait3A_202] : memref<8x33x128xf32, #tpu.memory_space<vmem>> -> memref<8x1x128xf32, #tpu.memory_space<vmem>>
      %dma_wait3A_204 = arith.constant 0 : i32
      %dma_wait3A_205 = arith.constant 0 : i32
      %dma_wait3A_206 = tpu.memref_slice %arg2[%add3A_190, %dma_wait3A_204, %dma_wait3A_205] : memref<10000x1x128xf32, #tpu.memory_space<hbm>> -> memref<8x1x128xf32, #tpu.memory_space<hbm>>
      %dma_wait3A_207 = arith.constant 0 : i32
      %dma_wait3A_208 = arith.constant 0 : i32
      %dma_wait3A_209 = arith.constant 0 : i32
      %dma_wait3A_210 = tpu.memref_slice %arg7[%dma_wait3A_207, %dma_wait3A_208, %dma_wait3A_209] : memref<8x33x128xf32, #tpu.memory_space<vmem>> -> memref<8x1x128xf32, #tpu.memory_space<vmem>>
      %dma_wait3A_211 = arith.constant 0 : i32
      %dma_wait3A_212 = arith.constant 0 : i32
      %dma_wait3A_213 = tpu.memref_slice %arg2[%add3A_190, %dma_wait3A_211, %dma_wait3A_212] : memref<10000x1x128xf32, #tpu.memory_space<hbm>> -> memref<8x1x128xf32, #tpu.memory_space<hbm>>
      tpu.wait_dma2 semaphore(%arg10 : memref<!tpu.dma_semaphore, #tpu.memory_space<semaphore_mem>>) src(%dma_wait3A_213 : memref<8x1x128xf32, #tpu.memory_space<hbm>>) dst(%dma_wait3A_210 : memref<8x1x128xf32, #tpu.memory_space<vmem>>)
      %dma_wait3A_214 = arith.constant 0 : i32
      %dma_wait3A_215 = arith.constant 1 : i32
      %dma_wait3A_216 = arith.constant 0 : i32
      %dma_wait3A_217 = tpu.memref_slice %arg7[%dma_wait3A_214, %dma_wait3A_215, %dma_wait3A_216] : memref<8x33x128xf32, #tpu.memory_space<vmem>> -> memref<8x16x128xf32, #tpu.memory_space<vmem>>
      %dma_wait3A_218 = arith.constant 0 : i32
      %dma_wait3A_219 = arith.constant 0 : i32
      %dma_wait3A_220 = tpu.memref_slice %arg3[%add3A_190, %dma_wait3A_218, %dma_wait3A_219] : memref<10000x16x128xf32, #tpu.memory_space<hbm>> -> memref<8x16x128xf32, #tpu.memory_space<hbm>>
      %dma_wait3A_221 = arith.constant 0 : i32
      %dma_wait3A_222 = arith.constant 1 : i32
      %dma_wait3A_223 = arith.constant 0 : i32
      %dma_wait3A_224 = tpu.memref_slice %arg7[%dma_wait3A_221, %dma_wait3A_222, %dma_wait3A_223] : memref<8x33x128xf32, #tpu.memory_space<vmem>> -> memref<8x16x128xf32, #tpu.memory_space<vmem>>
      %dma_wait3A_225 = arith.constant 0 : i32
      %dma_wait3A_226 = arith.constant 0 : i32
      %dma_wait3A_227 = tpu.memref_slice %arg3[%add3A_190, %dma_wait3A_225, %dma_wait3A_226] : memref<10000x16x128xf32, #tpu.memory_space<hbm>> -> memref<8x16x128xf32, #tpu.memory_space<hbm>>
      tpu.wait_dma2 semaphore(%arg10 : memref<!tpu.dma_semaphore, #tpu.memory_space<semaphore_mem>>) src(%dma_wait3A_227 : memref<8x16x128xf32, #tpu.memory_space<hbm>>) dst(%dma_wait3A_224 : memref<8x16x128xf32, #tpu.memory_space<vmem>>)
      %dma_wait3A_228 = arith.constant 0 : i32
      %dma_wait3A_229 = arith.constant 17 : i32
      %dma_wait3A_230 = arith.constant 0 : i32
      %dma_wait3A_231 = tpu.memref_slice %arg7[%dma_wait3A_228, %dma_wait3A_229, %dma_wait3A_230] : memref<8x33x128xf32, #tpu.memory_space<vmem>> -> memref<8x16x128xf32, #tpu.memory_space<vmem>>
      %dma_wait3A_232 = arith.constant 0 : i32
      %dma_wait3A_233 = arith.constant 0 : i32
      %dma_wait3A_234 = tpu.memref_slice %arg4[%add3A_190, %dma_wait3A_232, %dma_wait3A_233] : memref<10000x16x128xf32, #tpu.memory_space<hbm>> -> memref<8x16x128xf32, #tpu.memory_space<hbm>>
      %dma_wait3A_235 = arith.constant 0 : i32
      %dma_wait3A_236 = arith.constant 17 : i32
      %dma_wait3A_237 = arith.constant 0 : i32
      %dma_wait3A_238 = tpu.memref_slice %arg7[%dma_wait3A_235, %dma_wait3A_236, %dma_wait3A_237] : memref<8x33x128xf32, #tpu.memory_space<vmem>> -> memref<8x16x128xf32, #tpu.memory_space<vmem>>
      %dma_wait3A_239 = arith.constant 0 : i32
      %dma_wait3A_240 = arith.constant 0 : i32
      %dma_wait3A_241 = tpu.memref_slice %arg4[%add3A_190, %dma_wait3A_239, %dma_wait3A_240] : memref<10000x16x128xf32, #tpu.memory_space<hbm>> -> memref<8x16x128xf32, #tpu.memory_space<hbm>>
      tpu.wait_dma2 semaphore(%arg10 : memref<!tpu.dma_semaphore, #tpu.memory_space<semaphore_mem>>) src(%dma_wait3A_241 : memref<8x16x128xf32, #tpu.memory_space<hbm>>) dst(%dma_wait3A_238 : memref<8x16x128xf32, #tpu.memory_space<vmem>>)
      %dma_start3A_242 = arith.constant 0 : i32
      %dma_start3A_243 = arith.constant 0 : i32
      %dma_start3A_244 = tpu.memref_slice %arg5[%add3A_190, %dma_start3A_242, %dma_start3A_243] : memref<10000x33x128xf32, #tpu.memory_space<hbm>> -> memref<8x33x128xf32, #tpu.memory_space<hbm>>
      %dma_start3A_245 = arith.constant 0 : i32
      %dma_start3A_246 = arith.constant 0 : i32
      %dma_start3A_247 = tpu.memref_slice %arg5[%add3A_190, %dma_start3A_245, %dma_start3A_246] : memref<10000x33x128xf32, #tpu.memory_space<hbm>> -> memref<8x33x128xf32, #tpu.memory_space<hbm>>
      tpu.enqueue_dma source(%arg7 : memref<8x33x128xf32, #tpu.memory_space<vmem>>) target(%dma_start3A_247 : memref<8x33x128xf32, #tpu.memory_space<hbm>>) target_semaphore(%arg13 : memref<!tpu.dma_semaphore, #tpu.memory_space<semaphore_mem>>)
      %add3A_248 = arith.constant 2 : i32
      %add3A_249 = arith.addi %mul3A_124, %add3A_248 : i32
      %mul3A_250 = arith.constant 8 : i32
      %mul3A_251 = arith.muli %add3A_249, %mul3A_250 : i32
      %add3A_252 = arith.addi %add3A_4, %mul3A_251 : i32
      %add3A_253 = arith.constant 3 : i32
      %add3A_254 = arith.addi %add3A_249, %add3A_253 : i32
      %sub3A_255 = arith.constant 1 : i32
      %sub3A_256 = arith.subi %add3A_254, %sub3A_255 : i32
      %lt3A_257 = arith.constant 39 : i32
      %lt3A_258 = arith.cmpi slt, %sub3A_256, %lt3A_257 : i32
      %convert_element_type3A_259 = arith.extui %lt3A_258 : i1 to i32
      %cond3A_260 = arith.constant 0 : i32
      %cond3A_261 = arith.cmpi ne, %convert_element_type3A_259, %cond3A_260 : i32
      scf.if %cond3A_261 {
        %ge3A = arith.constant 1 : i32
        %ge3A_310 = arith.cmpi sge, %add3A_249, %ge3A : i32
        %convert_element_type3A_311 = arith.extui %ge3A_310 : i1 to i32
        %cond3A_312 = arith.constant 0 : i32
        %cond3A_313 = arith.cmpi ne, %convert_element_type3A_311, %cond3A_312 : i32
        scf.if %cond3A_313 {
          %sub3A_358 = arith.constant 8 : i32
          %sub3A_359 = arith.subi %add3A_252, %sub3A_358 : i32
          %dma_wait3A_360 = arith.constant 0 : i32
          %dma_wait3A_361 = arith.constant 0 : i32
          %dma_wait3A_362 = tpu.memref_slice %arg5[%sub3A_359, %dma_wait3A_360, %dma_wait3A_361] : memref<10000x33x128xf32, #tpu.memory_space<hbm>> -> memref<8x33x128xf32, #tpu.memory_space<hbm>>
          %dma_wait3A_363 = arith.constant 0 : i32
          %dma_wait3A_364 = arith.constant 0 : i32
          %dma_wait3A_365 = tpu.memref_slice %arg5[%sub3A_359, %dma_wait3A_363, %dma_wait3A_364] : memref<10000x33x128xf32, #tpu.memory_space<hbm>> -> memref<8x33x128xf32, #tpu.memory_space<hbm>>
          tpu.wait_dma2 semaphore(%arg13 : memref<!tpu.dma_semaphore, #tpu.memory_space<semaphore_mem>>) src(%arg7 : memref<8x33x128xf32, #tpu.memory_space<vmem>>) dst(%dma_wait3A_365 : memref<8x33x128xf32, #tpu.memory_space<hbm>>)
        } else {
        }
        %add3A_314 = arith.constant 16 : i32
        %add3A_315 = arith.addi %add3A_252, %add3A_314 : i32
        %dma_start3A_316 = arith.constant 0 : i32
        %dma_start3A_317 = arith.constant 0 : i32
        %dma_start3A_318 = arith.constant 0 : i32
        %dma_start3A_319 = tpu.memref_slice %arg7[%dma_start3A_316, %dma_start3A_317, %dma_start3A_318] : memref<8x33x128xf32, #tpu.memory_space<vmem>> -> memref<8x1x128xf32, #tpu.memory_space<vmem>>
        %dma_start3A_320 = arith.constant 0 : i32
        %dma_start3A_321 = arith.constant 0 : i32
        %dma_start3A_322 = tpu.memref_slice %arg2[%add3A_315, %dma_start3A_320, %dma_start3A_321] : memref<10000x1x128xf32, #tpu.memory_space<hbm>> -> memref<8x1x128xf32, #tpu.memory_space<hbm>>
        %dma_start3A_323 = arith.constant 0 : i32
        %dma_start3A_324 = arith.constant 0 : i32
        %dma_start3A_325 = arith.constant 0 : i32
        %dma_start3A_326 = tpu.memref_slice %arg7[%dma_start3A_323, %dma_start3A_324, %dma_start3A_325] : memref<8x33x128xf32, #tpu.memory_space<vmem>> -> memref<8x1x128xf32, #tpu.memory_space<vmem>>
        %dma_start3A_327 = arith.constant 0 : i32
        %dma_start3A_328 = arith.constant 0 : i32
        %dma_start3A_329 = tpu.memref_slice %arg2[%add3A_315, %dma_start3A_327, %dma_start3A_328] : memref<10000x1x128xf32, #tpu.memory_space<hbm>> -> memref<8x1x128xf32, #tpu.memory_space<hbm>>
        tpu.enqueue_dma source(%dma_start3A_329 : memref<8x1x128xf32, #tpu.memory_space<hbm>>) target(%dma_start3A_326 : memref<8x1x128xf32, #tpu.memory_space<vmem>>) target_semaphore(%arg10 : memref<!tpu.dma_semaphore, #tpu.memory_space<semaphore_mem>>)
        %dma_start3A_330 = arith.constant 0 : i32
        %dma_start3A_331 = arith.constant 1 : i32
        %dma_start3A_332 = arith.constant 0 : i32
        %dma_start3A_333 = tpu.memref_slice %arg7[%dma_start3A_330, %dma_start3A_331, %dma_start3A_332] : memref<8x33x128xf32, #tpu.memory_space<vmem>> -> memref<8x16x128xf32, #tpu.memory_space<vmem>>
        %dma_start3A_334 = arith.constant 0 : i32
        %dma_start3A_335 = arith.constant 0 : i32
        %dma_start3A_336 = tpu.memref_slice %arg3[%add3A_315, %dma_start3A_334, %dma_start3A_335] : memref<10000x16x128xf32, #tpu.memory_space<hbm>> -> memref<8x16x128xf32, #tpu.memory_space<hbm>>
        %dma_start3A_337 = arith.constant 0 : i32
        %dma_start3A_338 = arith.constant 1 : i32
        %dma_start3A_339 = arith.constant 0 : i32
        %dma_start3A_340 = tpu.memref_slice %arg7[%dma_start3A_337, %dma_start3A_338, %dma_start3A_339] : memref<8x33x128xf32, #tpu.memory_space<vmem>> -> memref<8x16x128xf32, #tpu.memory_space<vmem>>
        %dma_start3A_341 = arith.constant 0 : i32
        %dma_start3A_342 = arith.constant 0 : i32
        %dma_start3A_343 = tpu.memref_slice %arg3[%add3A_315, %dma_start3A_341, %dma_start3A_342] : memref<10000x16x128xf32, #tpu.memory_space<hbm>> -> memref<8x16x128xf32, #tpu.memory_space<hbm>>
        tpu.enqueue_dma source(%dma_start3A_343 : memref<8x16x128xf32, #tpu.memory_space<hbm>>) target(%dma_start3A_340 : memref<8x16x128xf32, #tpu.memory_space<vmem>>) target_semaphore(%arg10 : memref<!tpu.dma_semaphore, #tpu.memory_space<semaphore_mem>>)
        %dma_start3A_344 = arith.constant 0 : i32
        %dma_start3A_345 = arith.constant 17 : i32
        %dma_start3A_346 = arith.constant 0 : i32
        %dma_start3A_347 = tpu.memref_slice %arg7[%dma_start3A_344, %dma_start3A_345, %dma_start3A_346] : memref<8x33x128xf32, #tpu.memory_space<vmem>> -> memref<8x16x128xf32, #tpu.memory_space<vmem>>
        %dma_start3A_348 = arith.constant 0 : i32
        %dma_start3A_349 = arith.constant 0 : i32
        %dma_start3A_350 = tpu.memref_slice %arg4[%add3A_315, %dma_start3A_348, %dma_start3A_349] : memref<10000x16x128xf32, #tpu.memory_space<hbm>> -> memref<8x16x128xf32, #tpu.memory_space<hbm>>
        %dma_start3A_351 = arith.constant 0 : i32
        %dma_start3A_352 = arith.constant 17 : i32
        %dma_start3A_353 = arith.constant 0 : i32
        %dma_start3A_354 = tpu.memref_slice %arg7[%dma_start3A_351, %dma_start3A_352, %dma_start3A_353] : memref<8x33x128xf32, #tpu.memory_space<vmem>> -> memref<8x16x128xf32, #tpu.memory_space<vmem>>
        %dma_start3A_355 = arith.constant 0 : i32
        %dma_start3A_356 = arith.constant 0 : i32
        %dma_start3A_357 = tpu.memref_slice %arg4[%add3A_315, %dma_start3A_355, %dma_start3A_356] : memref<10000x16x128xf32, #tpu.memory_space<hbm>> -> memref<8x16x128xf32, #tpu.memory_space<hbm>>
        tpu.enqueue_dma source(%dma_start3A_357 : memref<8x16x128xf32, #tpu.memory_space<hbm>>) target(%dma_start3A_354 : memref<8x16x128xf32, #tpu.memory_space<vmem>>) target_semaphore(%arg10 : memref<!tpu.dma_semaphore, #tpu.memory_space<semaphore_mem>>)
      } else {
      }
      %dma_wait3A_262 = arith.constant 0 : i32
      %dma_wait3A_263 = arith.constant 0 : i32
      %dma_wait3A_264 = arith.constant 0 : i32
      %dma_wait3A_265 = tpu.memref_slice %arg8[%dma_wait3A_262, %dma_wait3A_263, %dma_wait3A_264] : memref<8x33x128xf32, #tpu.memory_space<vmem>> -> memref<8x1x128xf32, #tpu.memory_space<vmem>>
      %dma_wait3A_266 = arith.constant 0 : i32
      %dma_wait3A_267 = arith.constant 0 : i32
      %dma_wait3A_268 = tpu.memref_slice %arg2[%add3A_252, %dma_wait3A_266, %dma_wait3A_267] : memref<10000x1x128xf32, #tpu.memory_space<hbm>> -> memref<8x1x128xf32, #tpu.memory_space<hbm>>
      %dma_wait3A_269 = arith.constant 0 : i32
      %dma_wait3A_270 = arith.constant 0 : i32
      %dma_wait3A_271 = arith.constant 0 : i32
      %dma_wait3A_272 = tpu.memref_slice %arg8[%dma_wait3A_269, %dma_wait3A_270, %dma_wait3A_271] : memref<8x33x128xf32, #tpu.memory_space<vmem>> -> memref<8x1x128xf32, #tpu.memory_space<vmem>>
      %dma_wait3A_273 = arith.constant 0 : i32
      %dma_wait3A_274 = arith.constant 0 : i32
      %dma_wait3A_275 = tpu.memref_slice %arg2[%add3A_252, %dma_wait3A_273, %dma_wait3A_274] : memref<10000x1x128xf32, #tpu.memory_space<hbm>> -> memref<8x1x128xf32, #tpu.memory_space<hbm>>
      tpu.wait_dma2 semaphore(%arg11 : memref<!tpu.dma_semaphore, #tpu.memory_space<semaphore_mem>>) src(%dma_wait3A_275 : memref<8x1x128xf32, #tpu.memory_space<hbm>>) dst(%dma_wait3A_272 : memref<8x1x128xf32, #tpu.memory_space<vmem>>)
      %dma_wait3A_276 = arith.constant 0 : i32
      %dma_wait3A_277 = arith.constant 1 : i32
      %dma_wait3A_278 = arith.constant 0 : i32
      %dma_wait3A_279 = tpu.memref_slice %arg8[%dma_wait3A_276, %dma_wait3A_277, %dma_wait3A_278] : memref<8x33x128xf32, #tpu.memory_space<vmem>> -> memref<8x16x128xf32, #tpu.memory_space<vmem>>
      %dma_wait3A_280 = arith.constant 0 : i32
      %dma_wait3A_281 = arith.constant 0 : i32
      %dma_wait3A_282 = tpu.memref_slice %arg3[%add3A_252, %dma_wait3A_280, %dma_wait3A_281] : memref<10000x16x128xf32, #tpu.memory_space<hbm>> -> memref<8x16x128xf32, #tpu.memory_space<hbm>>
      %dma_wait3A_283 = arith.constant 0 : i32
      %dma_wait3A_284 = arith.constant 1 : i32
      %dma_wait3A_285 = arith.constant 0 : i32
      %dma_wait3A_286 = tpu.memref_slice %arg8[%dma_wait3A_283, %dma_wait3A_284, %dma_wait3A_285] : memref<8x33x128xf32, #tpu.memory_space<vmem>> -> memref<8x16x128xf32, #tpu.memory_space<vmem>>
      %dma_wait3A_287 = arith.constant 0 : i32
      %dma_wait3A_288 = arith.constant 0 : i32
      %dma_wait3A_289 = tpu.memref_slice %arg3[%add3A_252, %dma_wait3A_287, %dma_wait3A_288] : memref<10000x16x128xf32, #tpu.memory_space<hbm>> -> memref<8x16x128xf32, #tpu.memory_space<hbm>>
      tpu.wait_dma2 semaphore(%arg11 : memref<!tpu.dma_semaphore, #tpu.memory_space<semaphore_mem>>) src(%dma_wait3A_289 : memref<8x16x128xf32, #tpu.memory_space<hbm>>) dst(%dma_wait3A_286 : memref<8x16x128xf32, #tpu.memory_space<vmem>>)
      %dma_wait3A_290 = arith.constant 0 : i32
      %dma_wait3A_291 = arith.constant 17 : i32
      %dma_wait3A_292 = arith.constant 0 : i32
      %dma_wait3A_293 = tpu.memref_slice %arg8[%dma_wait3A_290, %dma_wait3A_291, %dma_wait3A_292] : memref<8x33x128xf32, #tpu.memory_space<vmem>> -> memref<8x16x128xf32, #tpu.memory_space<vmem>>
      %dma_wait3A_294 = arith.constant 0 : i32
      %dma_wait3A_295 = arith.constant 0 : i32
      %dma_wait3A_296 = tpu.memref_slice %arg4[%add3A_252, %dma_wait3A_294, %dma_wait3A_295] : memref<10000x16x128xf32, #tpu.memory_space<hbm>> -> memref<8x16x128xf32, #tpu.memory_space<hbm>>
      %dma_wait3A_297 = arith.constant 0 : i32
      %dma_wait3A_298 = arith.constant 17 : i32
      %dma_wait3A_299 = arith.constant 0 : i32
      %dma_wait3A_300 = tpu.memref_slice %arg8[%dma_wait3A_297, %dma_wait3A_298, %dma_wait3A_299] : memref<8x33x128xf32, #tpu.memory_space<vmem>> -> memref<8x16x128xf32, #tpu.memory_space<vmem>>
      %dma_wait3A_301 = arith.constant 0 : i32
      %dma_wait3A_302 = arith.constant 0 : i32
      %dma_wait3A_303 = tpu.memref_slice %arg4[%add3A_252, %dma_wait3A_301, %dma_wait3A_302] : memref<10000x16x128xf32, #tpu.memory_space<hbm>> -> memref<8x16x128xf32, #tpu.memory_space<hbm>>
      tpu.wait_dma2 semaphore(%arg11 : memref<!tpu.dma_semaphore, #tpu.memory_space<semaphore_mem>>) src(%dma_wait3A_303 : memref<8x16x128xf32, #tpu.memory_space<hbm>>) dst(%dma_wait3A_300 : memref<8x16x128xf32, #tpu.memory_space<vmem>>)
      %dma_start3A_304 = arith.constant 0 : i32
      %dma_start3A_305 = arith.constant 0 : i32
      %dma_start3A_306 = tpu.memref_slice %arg5[%add3A_252, %dma_start3A_304, %dma_start3A_305] : memref<10000x33x128xf32, #tpu.memory_space<hbm>> -> memref<8x33x128xf32, #tpu.memory_space<hbm>>
      %dma_start3A_307 = arith.constant 0 : i32
      %dma_start3A_308 = arith.constant 0 : i32
      %dma_start3A_309 = tpu.memref_slice %arg5[%add3A_252, %dma_start3A_307, %dma_start3A_308] : memref<10000x33x128xf32, #tpu.memory_space<hbm>> -> memref<8x33x128xf32, #tpu.memory_space<hbm>>
      tpu.enqueue_dma source(%arg8 : memref<8x33x128xf32, #tpu.memory_space<vmem>>) target(%dma_start3A_309 : memref<8x33x128xf32, #tpu.memory_space<hbm>>) target_semaphore(%arg14 : memref<!tpu.dma_semaphore, #tpu.memory_space<semaphore_mem>>)
    }
    %scan3A_96 = arith.constant 13 : i32
    %add3A_97 = arith.constant 288 : i32
    %add3A_98 = arith.addi %add3A_4, %add3A_97 : i32
    %dma_wait3A = arith.constant 0 : i32
    %dma_wait3A_99 = arith.constant 0 : i32
    %dma_wait3A_100 = tpu.memref_slice %arg5[%add3A_98, %dma_wait3A, %dma_wait3A_99] : memref<10000x33x128xf32, #tpu.memory_space<hbm>> -> memref<8x33x128xf32, #tpu.memory_space<hbm>>
    %dma_wait3A_101 = arith.constant 0 : i32
    %dma_wait3A_102 = arith.constant 0 : i32
    %dma_wait3A_103 = tpu.memref_slice %arg5[%add3A_98, %dma_wait3A_101, %dma_wait3A_102] : memref<10000x33x128xf32, #tpu.memory_space<hbm>> -> memref<8x33x128xf32, #tpu.memory_space<hbm>>
    tpu.wait_dma2 semaphore(%arg12 : memref<!tpu.dma_semaphore, #tpu.memory_space<semaphore_mem>>) src(%arg6 : memref<8x33x128xf32, #tpu.memory_space<vmem>>) dst(%dma_wait3A_103 : memref<8x33x128xf32, #tpu.memory_space<hbm>>)
    %add3A_104 = arith.constant 296 : i32
    %add3A_105 = arith.addi %add3A_4, %add3A_104 : i32
    %dma_wait3A_106 = arith.constant 0 : i32
    %dma_wait3A_107 = arith.constant 0 : i32
    %dma_wait3A_108 = tpu.memref_slice %arg5[%add3A_105, %dma_wait3A_106, %dma_wait3A_107] : memref<10000x33x128xf32, #tpu.memory_space<hbm>> -> memref<8x33x128xf32, #tpu.memory_space<hbm>>
    %dma_wait3A_109 = arith.constant 0 : i32
    %dma_wait3A_110 = arith.constant 0 : i32
    %dma_wait3A_111 = tpu.memref_slice %arg5[%add3A_105, %dma_wait3A_109, %dma_wait3A_110] : memref<10000x33x128xf32, #tpu.memory_space<hbm>> -> memref<8x33x128xf32, #tpu.memory_space<hbm>>
    tpu.wait_dma2 semaphore(%arg13 : memref<!tpu.dma_semaphore, #tpu.memory_space<semaphore_mem>>) src(%arg7 : memref<8x33x128xf32, #tpu.memory_space<vmem>>) dst(%dma_wait3A_111 : memref<8x33x128xf32, #tpu.memory_space<hbm>>)
    %add3A_112 = arith.constant 304 : i32
    %add3A_113 = arith.addi %add3A_4, %add3A_112 : i32
    %dma_wait3A_114 = arith.constant 0 : i32
    %dma_wait3A_115 = arith.constant 0 : i32
    %dma_wait3A_116 = tpu.memref_slice %arg5[%add3A_113, %dma_wait3A_114, %dma_wait3A_115] : memref<10000x33x128xf32, #tpu.memory_space<hbm>> -> memref<8x33x128xf32, #tpu.memory_space<hbm>>
    %dma_wait3A_117 = arith.constant 0 : i32
    %dma_wait3A_118 = arith.constant 0 : i32
    %dma_wait3A_119 = tpu.memref_slice %arg5[%add3A_113, %dma_wait3A_117, %dma_wait3A_118] : memref<10000x33x128xf32, #tpu.memory_space<hbm>> -> memref<8x33x128xf32, #tpu.memory_space<hbm>>
    tpu.wait_dma2 semaphore(%arg14 : memref<!tpu.dma_semaphore, #tpu.memory_space<semaphore_mem>>) src(%arg8 : memref<8x33x128xf32, #tpu.memory_space<vmem>>) dst(%dma_wait3A_119 : memref<8x33x128xf32, #tpu.memory_space<hbm>>)
    %lt3A = arith.constant 16 : i32
    %lt3A_120 = arith.cmpi slt, %add3A, %lt3A : i32
    %convert_element_type3A = arith.extui %lt3A_120 : i1 to i32
    %cond3A = arith.constant 0 : i32
    %cond3A_121 = arith.cmpi ne, %convert_element_type3A, %cond3A : i32
    scf.if %cond3A_121 {
      %add3A_122 = arith.constant 312 : i32
      %add3A_123 = arith.addi %add3A_4, %add3A_122 : i32
      %dma_start3A_124 = arith.constant 0 : i32
      %dma_start3A_125 = arith.constant 0 : i32
      %dma_start3A_126 = arith.constant 0 : i32
      %dma_start3A_127 = tpu.memref_slice %arg6[%dma_start3A_124, %dma_start3A_125, %dma_start3A_126] : memref<8x33x128xf32, #tpu.memory_space<vmem>> -> memref<1x1x128xf32, #tpu.memory_space<vmem>>
      %dma_start3A_128 = arith.constant 0 : i32
      %dma_start3A_129 = arith.constant 0 : i32
      %dma_start3A_130 = tpu.memref_slice %arg2[%add3A_123, %dma_start3A_128, %dma_start3A_129] : memref<10000x1x128xf32, #tpu.memory_space<hbm>> -> memref<1x1x128xf32, #tpu.memory_space<hbm>>
      %dma_start3A_131 = arith.constant 0 : i32
      %dma_start3A_132 = arith.constant 0 : i32
      %dma_start3A_133 = arith.constant 0 : i32
      %dma_start3A_134 = tpu.memref_slice %arg6[%dma_start3A_131, %dma_start3A_132, %dma_start3A_133] : memref<8x33x128xf32, #tpu.memory_space<vmem>> -> memref<1x1x128xf32, #tpu.memory_space<vmem>>
      %dma_start3A_135 = arith.constant 0 : i32
      %dma_start3A_136 = arith.constant 0 : i32
      %dma_start3A_137 = tpu.memref_slice %arg2[%add3A_123, %dma_start3A_135, %dma_start3A_136] : memref<10000x1x128xf32, #tpu.memory_space<hbm>> -> memref<1x1x128xf32, #tpu.memory_space<hbm>>
      tpu.enqueue_dma source(%dma_start3A_137 : memref<1x1x128xf32, #tpu.memory_space<hbm>>) target(%dma_start3A_134 : memref<1x1x128xf32, #tpu.memory_space<vmem>>) target_semaphore(%arg9 : memref<!tpu.dma_semaphore, #tpu.memory_space<semaphore_mem>>)
      %dma_start3A_138 = arith.constant 0 : i32
      %dma_start3A_139 = arith.constant 1 : i32
      %dma_start3A_140 = arith.constant 0 : i32
      %dma_start3A_141 = tpu.memref_slice %arg6[%dma_start3A_138, %dma_start3A_139, %dma_start3A_140] : memref<8x33x128xf32, #tpu.memory_space<vmem>> -> memref<1x16x128xf32, #tpu.memory_space<vmem>>
      %dma_start3A_142 = arith.constant 0 : i32
      %dma_start3A_143 = arith.constant 0 : i32
      %dma_start3A_144 = tpu.memref_slice %arg3[%add3A_123, %dma_start3A_142, %dma_start3A_143] : memref<10000x16x128xf32, #tpu.memory_space<hbm>> -> memref<1x16x128xf32, #tpu.memory_space<hbm>>
      %dma_start3A_145 = arith.constant 0 : i32
      %dma_start3A_146 = arith.constant 1 : i32
      %dma_start3A_147 = arith.constant 0 : i32
      %dma_start3A_148 = tpu.memref_slice %arg6[%dma_start3A_145, %dma_start3A_146, %dma_start3A_147] : memref<8x33x128xf32, #tpu.memory_space<vmem>> -> memref<1x16x128xf32, #tpu.memory_space<vmem>>
      %dma_start3A_149 = arith.constant 0 : i32
      %dma_start3A_150 = arith.constant 0 : i32
      %dma_start3A_151 = tpu.memref_slice %arg3[%add3A_123, %dma_start3A_149, %dma_start3A_150] : memref<10000x16x128xf32, #tpu.memory_space<hbm>> -> memref<1x16x128xf32, #tpu.memory_space<hbm>>
      tpu.enqueue_dma source(%dma_start3A_151 : memref<1x16x128xf32, #tpu.memory_space<hbm>>) target(%dma_start3A_148 : memref<1x16x128xf32, #tpu.memory_space<vmem>>) target_semaphore(%arg9 : memref<!tpu.dma_semaphore, #tpu.memory_space<semaphore_mem>>)
      %dma_start3A_152 = arith.constant 0 : i32
      %dma_start3A_153 = arith.constant 17 : i32
      %dma_start3A_154 = arith.constant 0 : i32
      %dma_start3A_155 = tpu.memref_slice %arg6[%dma_start3A_152, %dma_start3A_153, %dma_start3A_154] : memref<8x33x128xf32, #tpu.memory_space<vmem>> -> memref<1x16x128xf32, #tpu.memory_space<vmem>>
      %dma_start3A_156 = arith.constant 0 : i32
      %dma_start3A_157 = arith.constant 0 : i32
      %dma_start3A_158 = tpu.memref_slice %arg4[%add3A_123, %dma_start3A_156, %dma_start3A_157] : memref<10000x16x128xf32, #tpu.memory_space<hbm>> -> memref<1x16x128xf32, #tpu.memory_space<hbm>>
      %dma_start3A_159 = arith.constant 0 : i32
      %dma_start3A_160 = arith.constant 17 : i32
      %dma_start3A_161 = arith.constant 0 : i32
      %dma_start3A_162 = tpu.memref_slice %arg6[%dma_start3A_159, %dma_start3A_160, %dma_start3A_161] : memref<8x33x128xf32, #tpu.memory_space<vmem>> -> memref<1x16x128xf32, #tpu.memory_space<vmem>>
      %dma_start3A_163 = arith.constant 0 : i32
      %dma_start3A_164 = arith.constant 0 : i32
      %dma_start3A_165 = tpu.memref_slice %arg4[%add3A_123, %dma_start3A_163, %dma_start3A_164] : memref<10000x16x128xf32, #tpu.memory_space<hbm>> -> memref<1x16x128xf32, #tpu.memory_space<hbm>>
      tpu.enqueue_dma source(%dma_start3A_165 : memref<1x16x128xf32, #tpu.memory_space<hbm>>) target(%dma_start3A_162 : memref<1x16x128xf32, #tpu.memory_space<vmem>>) target_semaphore(%arg9 : memref<!tpu.dma_semaphore, #tpu.memory_space<semaphore_mem>>)
      %dma_wait3A_166 = arith.constant 0 : i32
      %dma_wait3A_167 = arith.constant 0 : i32
      %dma_wait3A_168 = arith.constant 0 : i32
      %dma_wait3A_169 = tpu.memref_slice %arg6[%dma_wait3A_166, %dma_wait3A_167, %dma_wait3A_168] : memref<8x33x128xf32, #tpu.memory_space<vmem>> -> memref<1x1x128xf32, #tpu.memory_space<vmem>>
      %dma_wait3A_170 = arith.constant 0 : i32
      %dma_wait3A_171 = arith.constant 0 : i32
      %dma_wait3A_172 = tpu.memref_slice %arg2[%add3A_123, %dma_wait3A_170, %dma_wait3A_171] : memref<10000x1x128xf32, #tpu.memory_space<hbm>> -> memref<1x1x128xf32, #tpu.memory_space<hbm>>
      %dma_wait3A_173 = arith.constant 0 : i32
      %dma_wait3A_174 = arith.constant 0 : i32
      %dma_wait3A_175 = arith.constant 0 : i32
      %dma_wait3A_176 = tpu.memref_slice %arg6[%dma_wait3A_173, %dma_wait3A_174, %dma_wait3A_175] : memref<8x33x128xf32, #tpu.memory_space<vmem>> -> memref<1x1x128xf32, #tpu.memory_space<vmem>>
      %dma_wait3A_177 = arith.constant 0 : i32
      %dma_wait3A_178 = arith.constant 0 : i32
      %dma_wait3A_179 = tpu.memref_slice %arg2[%add3A_123, %dma_wait3A_177, %dma_wait3A_178] : memref<10000x1x128xf32, #tpu.memory_space<hbm>> -> memref<1x1x128xf32, #tpu.memory_space<hbm>>
      tpu.wait_dma2 semaphore(%arg9 : memref<!tpu.dma_semaphore, #tpu.memory_space<semaphore_mem>>) src(%dma_wait3A_179 : memref<1x1x128xf32, #tpu.memory_space<hbm>>) dst(%dma_wait3A_176 : memref<1x1x128xf32, #tpu.memory_space<vmem>>)
      %dma_wait3A_180 = arith.constant 0 : i32
      %dma_wait3A_181 = arith.constant 1 : i32
      %dma_wait3A_182 = arith.constant 0 : i32
      %dma_wait3A_183 = tpu.memref_slice %arg6[%dma_wait3A_180, %dma_wait3A_181, %dma_wait3A_182] : memref<8x33x128xf32, #tpu.memory_space<vmem>> -> memref<1x16x128xf32, #tpu.memory_space<vmem>>
      %dma_wait3A_184 = arith.constant 0 : i32
      %dma_wait3A_185 = arith.constant 0 : i32
      %dma_wait3A_186 = tpu.memref_slice %arg3[%add3A_123, %dma_wait3A_184, %dma_wait3A_185] : memref<10000x16x128xf32, #tpu.memory_space<hbm>> -> memref<1x16x128xf32, #tpu.memory_space<hbm>>
      %dma_wait3A_187 = arith.constant 0 : i32
      %dma_wait3A_188 = arith.constant 1 : i32
      %dma_wait3A_189 = arith.constant 0 : i32
      %dma_wait3A_190 = tpu.memref_slice %arg6[%dma_wait3A_187, %dma_wait3A_188, %dma_wait3A_189] : memref<8x33x128xf32, #tpu.memory_space<vmem>> -> memref<1x16x128xf32, #tpu.memory_space<vmem>>
      %dma_wait3A_191 = arith.constant 0 : i32
      %dma_wait3A_192 = arith.constant 0 : i32
      %dma_wait3A_193 = tpu.memref_slice %arg3[%add3A_123, %dma_wait3A_191, %dma_wait3A_192] : memref<10000x16x128xf32, #tpu.memory_space<hbm>> -> memref<1x16x128xf32, #tpu.memory_space<hbm>>
      tpu.wait_dma2 semaphore(%arg9 : memref<!tpu.dma_semaphore, #tpu.memory_space<semaphore_mem>>) src(%dma_wait3A_193 : memref<1x16x128xf32, #tpu.memory_space<hbm>>) dst(%dma_wait3A_190 : memref<1x16x128xf32, #tpu.memory_space<vmem>>)
      %dma_wait3A_194 = arith.constant 0 : i32
      %dma_wait3A_195 = arith.constant 17 : i32
      %dma_wait3A_196 = arith.constant 0 : i32
      %dma_wait3A_197 = tpu.memref_slice %arg6[%dma_wait3A_194, %dma_wait3A_195, %dma_wait3A_196] : memref<8x33x128xf32, #tpu.memory_space<vmem>> -> memref<1x16x128xf32, #tpu.memory_space<vmem>>
      %dma_wait3A_198 = arith.constant 0 : i32
      %dma_wait3A_199 = arith.constant 0 : i32
      %dma_wait3A_200 = tpu.memref_slice %arg4[%add3A_123, %dma_wait3A_198, %dma_wait3A_199] : memref<10000x16x128xf32, #tpu.memory_space<hbm>> -> memref<1x16x128xf32, #tpu.memory_space<hbm>>
      %dma_wait3A_201 = arith.constant 0 : i32
      %dma_wait3A_202 = arith.constant 17 : i32
      %dma_wait3A_203 = arith.constant 0 : i32
      %dma_wait3A_204 = tpu.memref_slice %arg6[%dma_wait3A_201, %dma_wait3A_202, %dma_wait3A_203] : memref<8x33x128xf32, #tpu.memory_space<vmem>> -> memref<1x16x128xf32, #tpu.memory_space<vmem>>
      %dma_wait3A_205 = arith.constant 0 : i32
      %dma_wait3A_206 = arith.constant 0 : i32
      %dma_wait3A_207 = tpu.memref_slice %arg4[%add3A_123, %dma_wait3A_205, %dma_wait3A_206] : memref<10000x16x128xf32, #tpu.memory_space<hbm>> -> memref<1x16x128xf32, #tpu.memory_space<hbm>>
      tpu.wait_dma2 semaphore(%arg9 : memref<!tpu.dma_semaphore, #tpu.memory_space<semaphore_mem>>) src(%dma_wait3A_207 : memref<1x16x128xf32, #tpu.memory_space<hbm>>) dst(%dma_wait3A_204 : memref<1x16x128xf32, #tpu.memory_space<vmem>>)
      "tpu.region"() ({
        %run_scoped3A = tpu.sem_alloc : memref<!tpu.dma_semaphore, #tpu.memory_space<semaphore_mem>>
        %dma_start3A_208 = arith.constant 0 : i32
        %dma_start3A_209 = arith.constant 0 : i32
        %dma_start3A_210 = arith.constant 0 : i32
        %dma_start3A_211 = tpu.memref_slice %arg6[%dma_start3A_208, %dma_start3A_209, %dma_start3A_210] : memref<8x33x128xf32, #tpu.memory_space<vmem>> -> memref<1x33x128xf32, #tpu.memory_space<vmem>>
        %dma_start3A_212 = arith.constant 0 : i32
        %dma_start3A_213 = arith.constant 0 : i32
        %dma_start3A_214 = tpu.memref_slice %arg5[%add3A_123, %dma_start3A_212, %dma_start3A_213] : memref<10000x33x128xf32, #tpu.memory_space<hbm>> -> memref<1x33x128xf32, #tpu.memory_space<hbm>>
        %dma_start3A_215 = arith.constant 0 : i32
        %dma_start3A_216 = arith.constant 0 : i32
        %dma_start3A_217 = tpu.memref_slice %arg5[%add3A_123, %dma_start3A_215, %dma_start3A_216] : memref<10000x33x128xf32, #tpu.memory_space<hbm>> -> memref<1x33x128xf32, #tpu.memory_space<hbm>>
        %dma_start3A_218 = arith.constant 0 : i32
        %dma_start3A_219 = arith.constant 0 : i32
        %dma_start3A_220 = arith.constant 0 : i32
        %dma_start3A_221 = tpu.memref_slice %arg6[%dma_start3A_218, %dma_start3A_219, %dma_start3A_220] : memref<8x33x128xf32, #tpu.memory_space<vmem>> -> memref<1x33x128xf32, #tpu.memory_space<vmem>>
        tpu.enqueue_dma source(%dma_start3A_221 : memref<1x33x128xf32, #tpu.memory_space<vmem>>) target(%dma_start3A_217 : memref<1x33x128xf32, #tpu.memory_space<hbm>>) target_semaphore(%run_scoped3A : memref<!tpu.dma_semaphore, #tpu.memory_space<semaphore_mem>>)
        %dma_wait3A_222 = arith.constant 0 : i32
        %dma_wait3A_223 = arith.constant 0 : i32
        %dma_wait3A_224 = arith.constant 0 : i32
        %dma_wait3A_225 = tpu.memref_slice %arg6[%dma_wait3A_222, %dma_wait3A_223, %dma_wait3A_224] : memref<8x33x128xf32, #tpu.memory_space<vmem>> -> memref<1x33x128xf32, #tpu.memory_space<vmem>>
        %dma_wait3A_226 = arith.constant 0 : i32
        %dma_wait3A_227 = arith.constant 0 : i32
        %dma_wait3A_228 = tpu.memref_slice %arg5[%add3A_123, %dma_wait3A_226, %dma_wait3A_227] : memref<10000x33x128xf32, #tpu.memory_space<hbm>> -> memref<1x33x128xf32, #tpu.memory_space<hbm>>
        %dma_wait3A_229 = arith.constant 0 : i32
        %dma_wait3A_230 = arith.constant 0 : i32
        %dma_wait3A_231 = tpu.memref_slice %arg5[%add3A_123, %dma_wait3A_229, %dma_wait3A_230] : memref<10000x33x128xf32, #tpu.memory_space<hbm>> -> memref<1x33x128xf32, #tpu.memory_space<hbm>>
        %dma_wait3A_232 = arith.constant 0 : i32
        %dma_wait3A_233 = arith.constant 0 : i32
        %dma_wait3A_234 = arith.constant 0 : i32
        %dma_wait3A_235 = tpu.memref_slice %arg6[%dma_wait3A_232, %dma_wait3A_233, %dma_wait3A_234] : memref<8x33x128xf32, #tpu.memory_space<vmem>> -> memref<1x33x128xf32, #tpu.memory_space<vmem>>
        tpu.wait_dma2 semaphore(%run_scoped3A : memref<!tpu.dma_semaphore, #tpu.memory_space<semaphore_mem>>) src(%dma_wait3A_235 : memref<1x33x128xf32, #tpu.memory_space<vmem>>) dst(%dma_wait3A_231 : memref<1x33x128xf32, #tpu.memory_space<hbm>>)
        tpu.yield
      }) : () -> ()
    } else {
    }
    return
  }
}

</mosaic_0001>

<sc_bundles>
// kernel: kernel.3.cloned.1.call-start
scs
__scs_entry_jumppad:
0x0: {  	(pc) =	sbr.rel $0x88, $3  }
0x1: {  	(tag) =	ssettag $0x0;
	lr =	simm.s32 $0x1  }
0x2: {  	[smem:$0x3F9E] =	sst lr;
	_ =	strace $0xD0000000  }
0x3: {  	_ = 	snop  }
0x4: {  	_ = 	snop  }
0x5: {  	_ = 	snop  }
0x6: {  	_ = 	snop  }
0x7: {  	_ = 	snop  }
__scs_overlays_trampoline_lowered:
0x8: {  	[smem:$0x3FAD] =	sst s0  }
0x9: {  	[smem:$0x3FAE] =	sst s1  }
0xa: {  	[smem:$0x3FAF] =	sst s2  }
0xb: {  	[smem:$0x3FB0] =	sst s3  }
0xc: {  	[smem:$0x3FB1] =	sst s4  }
0xd: {  	[smem:$0x3FB2] =	sst s5  }
0xe: {  	[smem:$0x3FB3] =	sst s6  }
0xf: {  	[smem:$0x3FB4] =	sst s7  }
0x10: {  	[smem:$0x3FB5] =	sst s8  }
0x11: {  	[smem:$0x3FB6] =	sst s9;
	s0 =	simm.s32 @!p0 $0x0  }
0x12: {  	s1 =	sld [smem:$0x3F9C];
	s0 =	simm.s32 @p0 $0x1  }
0x13: {  	[smem:$0x3FB7] =	sst s0;
	s0 =	simm.s32 @!p1 $0x0  }
0x14: {  	s2 =	sld [smem:$0x3F9B];
	s0 =	simm.s32 @p1 $0x1  }
0x15: {  	[smem:$0x3FB8] =	sst s0;
	s0 =	simm.s32 @!p2 $0x0  }
0x16: {  	s3 =	sld [smem:$0x3FDB];
	s0 =	simm.s32 @p2 $0x1  }
0x17: {  	s4 =	simm.s32 $0x1BF5;
	[smem:$0x3FBA] =	sst s0  }
0x18: {  	s0 =	sld [smem:$0x3F9D];
	_ =	swait.ge [sflag:s4], $0x0  }
0x19: {  	s7 =	sld [smem:$0x3F9E]  }
0x1a: {  	s8 =	sadd.s32 $0xFFFFE003, lr  }
0x1b: {  	s9 =	sadd.s32 $0xFFFFFEF7, lr;
	s5 =	simm.s32 $0xFFFFFFFF;
	p2 =	slt.u32 s8, $0xFFFFF086  }
0x1c: {  	p1 =	slt.u32 s9, $0xF7A;
	s5 =	simm.s32 @!p2 $0x0  }
0x1d: {  	s5 =	simm.s32 @p1 $0x1;
	p0 =	seq.s32 s7, s2  }
0x1e: {  	s7 =	smul.u32 @!p0 $0xF7A, s2;
	p2 =	seq.s32 @!p0 s5, $0x0  }
0x1f: {  	s9 =	smul.u32 $0xF7A, s1;
	s8 =	simm.s32 @!p0 $0x1BF5;
	p2 =	por !p2, p0  }
0x20: {  	[sflag:s8] =	ssyncset.s32 @!p0 $0xFFFFF086;
	s6 =	sadd.s32 @!p0 s3, s7;
	s7 =	simm.s32 @!p0 $0x108  }
0x21: {  	s3 =	sadd.s32 s3, s9;
	s6 =	sadd.s32 @!p0 $0x88, s6;
	s7 =	simm.s32 @p2 $0x1082  }
0x22: {  	[simem:s7], [sflag:s8] =	dma.local @!p0 [hbm:s6], $0xF7A  }
0x23: {  	s9 =	sor.u32 $0xD0000000, s2;
	s6 =	simm.s32 $0x108;
	_ =	swait.ge @!p0 [sflag:s8], $0x0  }
0x24: {  	s3 =	sadd.s32 $0x88, s3;
	s6 =	simm.s32 @!p1 $0x1082;
	[sflag:s4] =	ssyncset.s32 $0xFFFFF086  }
0x25: {  	[simem:s6], [sflag:s4] =	dma.local [hbm:s3], $0xF7A  }
0x26: {  	[smem:$0x3F9E] =	sst s1;
	(tag) =	ssettag s2;
	_ =	strace s9  }
0x27: {  	s1 =	sld [smem:$0x3FAE]  }
0x28: {  	s2 =	sld [smem:$0x3FAF]  }
0x29: {  	s4 =	sld [smem:$0x3FB1]  }
0x2a: {  	p0 =	seq.s32 s5, $0x0;
	s5 =	sld [smem:$0x3FB2]  }
0x2b: {  	s6 =	sld [smem:$0x3FB3]  }
0x2c: {  	s7 =	sld [smem:$0x3FB4]  }
0x2d: {  	s3 =	simm.s32 $0x108;
	s8 =	sld [smem:$0x3FB5]  }
0x2e: {  	s3 =	simm.s32 @!p0 $0x1082;
	s9 =	sld [smem:$0x3FB6]  }
0x2f: {  	lr =	sadd.s32 s0, s3;
	s0 =	sld [smem:$0x3FAD]  }
0x30: {  	s3 =	sld [smem:$0x3FB0]  }
0x31: {  	[smem:$0x3FB9] =	sst s10  }
0x32: {  	s10 =	sld [smem:$0x3FB7];
	_ =	sdelay $0x3  }
0x33: {  	p0 =	seq.s32 s10, $0x1;
	s10 =	sld [smem:$0x3FB9];
	_ =	sdelay $0x3  }
0x34: {  	[smem:$0x3FB9] =	sst s10  }
0x35: {  	s10 =	sld [smem:$0x3FB8];
	_ =	sdelay $0x3  }
0x36: {  	p1 =	seq.s32 s10, $0x1;
	s10 =	sld [smem:$0x3FB9];
	_ =	sdelay $0x3  }
0x37: {  	[smem:$0x3FB9] =	sst s10  }
0x38: {  	s10 =	sld [smem:$0x3FBA]  }
0x39: {  	_ = 	snop;
	(pc) =	sbr.ind lr, $3  }
0x3a: {  	_ = 	snop  }
0x3b: {  	_ = 	snop  }
0x3c: {  	p2 =	seq.s32 s10, $0x1;
	s10 =	sld [smem:$0x3FB9]  }
0x3d: {  	_ =	shalt  }
0x3e: {  	_ =	shalt  }
0x3f: {  	_ =	shalt  }
0x40: {  	_ =	shalt  }
0x41: {  	_ =	shalt  }
0x42: {  	_ =	shalt  }
0x43: {  	_ =	shalt  }
0x44: {  	_ =	shalt  }
0x45: {  	_ =	shalt  }
0x46: {  	_ =	shalt  }
0x47: {  	_ =	shalt  }
0x48: {  	_ =	shalt  }
0x49: {  	_ =	shalt  }
0x4a: {  	_ =	shalt  }
0x4b: {  	_ =	shalt  }
0x4c: {  	_ =	shalt  }
0x4d: {  	_ =	shalt  }
0x4e: {  	_ =	shalt  }
0x4f: {  	_ =	shalt  }
0x50: {  	_ =	shalt  }
0x51: {  	_ =	shalt  }
0x52: {  	_ =	shalt  }
0x53: {  	_ =	shalt  }
0x54: {  	_ =	shalt  }
0x55: {  	_ =	shalt  }
0x56: {  	_ =	shalt  }
0x57: {  	_ =	shalt  }
0x58: {  	_ =	shalt  }
0x59: {  	_ =	shalt  }
0x5a: {  	_ =	shalt  }
0x5b: {  	_ =	shalt  }
0x5c: {  	_ =	shalt  }
0x5d: {  	_ =	shalt  }
0x5e: {  	_ =	shalt  }
0x5f: {  	_ =	shalt  }
0x60: {  	_ =	shalt  }
0x61: {  	_ =	shalt  }
0x62: {  	_ =	shalt  }
0x63: {  	_ =	shalt  }
0x64: {  	_ =	shalt  }
0x65: {  	_ =	shalt  }
0x66: {  	_ =	shalt  }
0x67: {  	_ =	shalt  }
0x68: {  	_ =	shalt  }
0x69: {  	_ =	shalt  }
0x6a: {  	_ =	shalt  }
0x6b: {  	_ =	shalt  }
0x6c: {  	_ =	shalt  }
0x6d: {  	_ =	shalt  }
0x6e: {  	_ =	shalt  }
0x6f: {  	_ =	shalt  }
0x70: {  	_ =	shalt  }
0x71: {  	_ =	shalt  }
0x72: {  	_ =	shalt  }
0x73: {  	_ =	shalt  }
0x74: {  	_ =	shalt  }
0x75: {  	_ =	shalt  }
0x76: {  	_ =	shalt  }
0x77: {  	_ =	shalt  }
0x78: {  	_ =	shalt  }
0x79: {  	_ =	shalt  }
0x7a: {  	_ =	shalt  }
0x7b: {  	_ =	shalt  }
0x7c: {  	_ =	shalt  }
0x7d: {  	_ =	shalt  }
0x7e: {  	_ =	shalt  }
0x7f: {  	_ =	shalt  }
0x80: {  	_ =	shalt  }
0x81: {  	_ =	shalt  }
0x82: {  	_ =	shalt  }
0x83: {  	_ =	shalt  }
0x84: {  	_ =	shalt  }
0x85: {  	_ =	shalt  }
0x86: {  	_ =	shalt  }
0x87: {  	_ =	shalt  }
.Lfunc_end0:
.L_simem_size_0:
called_computation_lowered:
.L_overlay_start_0:
0x88: {  	s2 =	sld [smem:$0x3FD9]  }
0x89: {  	s3 =	sld [smem:$0x3FFE];
	_ =	sdelay $0x1  }
0x8a: {  	s1 =	srdreg.scid  }
0x8b: {  	s0 =	sand.u32 $0x1, s1  }
0x8c: {  	s17 =	sshll.u32 s0, $0xA;
	s2 =	sadd.s32 s3, s2  }
0x8d: {  	s2 =	sadd.s32 s2, s17  }
0x8e: {  	[smem:$0x3FC5] =	sst s2  }
0x8f: {  	_ = 	snop  }
0x90: {  	s2 =	sld [smem:$0x3FC9]  }
0x91: {  	s18 =	sld [smem:$0x3FC8]  }
0x92: {  	s4 =	sld [smem:$0x3FC7];
	(tm) =	ssettm $0x1  }
0x93: {  	s5 =	sld [smem:$0x3FFB];
	_ =	sdelay $0x3  }
0x94: {  	_ =	strace s5  }
0x95: {  	s5 =	sld [smem:$0x3FFC];
	_ =	sdelay $0x3  }
0x96: {  	_ =	strace s5  }
0x97: {  	s5 =	sld [smem:$0x3FFD];
	_ =	sdelay $0x3  }
0x98: {  	_ =	strace s5  }
0x99: {  	_ =	strace $0x8FFFFFFF  }
0x9a: {  	s19 =	sld [smem:$0x3FDB];
	_ =	sdelay $0x1  }
0x9b: {  	s6 =	simm.s32 $_scs_section_size  }
0x9c: {  	s7 =	simm.s32 $_size__tile_overlayer_lowered;
	s8 =	simm.s32 $_tile_overlayer_lowered  }
0x9d: {  	s22 =	simm.s32 $0x1BFF;
	s21 =	sshll.u32 s8, $0x1;
	s5 =	sadd.s32 s6, s19  }
0x9e: {  	s9 =	simm.s32 $0x0;
	s20 =	sshll.u32 s7, $0x1;
	s7 =	sadd.s32 s21, s5  }
0x9f: {  	[timem:s9], [sflag:s22] =	dma.local [hbm:s7], s20  }
0xa0: {  	_ =	swait.ge [sflag:s22], s20  }
0xa1: {  	s6 =	ssub.s32 $0x0, s20;
	[sflag:s22] =	ssyncset.done $0x0  }
0xa2: {  	[sflag:s22] =	ssyncadd.s32 s6;
	_ =	sdelay $0x1  }
0xa3: {  	s23 =	simm.s32 $0x1B8B  }
0xa4: {  	_ =	swait.ge [sflag:s23], $0x1  }
0xa5: {  	[sflag:s23] =	ssyncset.done $0x0  }
0xa6: {  	s25 =	simm.s32 $0x1B8E;
	s24 =	sld [smem:$0x3FFE];
	[sflag:s23] =	ssyncadd.s32 $0xFFFFFFFF  }
0xa7: {  	s26 =	simm.s32 $execute0_lowered;
	[smem:$0x3FD2] =	sst s25  }
0xa8: {  	s7 =	sshll.u32 s26, $0x1;
	_ =	strace $0x80000046;
	[dreg:$0x1] =	wrdreg $0xFFFFFFFF  }
0xa9: {  	s28 =	simm.s32 $_size_execute0_lowered;
	s5 =	sadd.s32 s5, s7;
	[dreg:$0x0] =	wrdreg $0x0  }
0xaa: {  	s7 =	sshll.u32 s28, $0x1;
	[dreg:$0x2] =	wrdreg s5  }
0xab: {  	[dreg:$0x3] =	wrdreg s7  }
0xac: {  	[dreg:$0x4] =	wrdreg $0xC0  }
0xad: {  	_ =	task [dreg:s9], $0x5FFFF  }
0xae: {  	[dreg:$0x1] =	wrdreg $0xFFFFFFFF  }
0xaf: {  	[dreg:$0x0] =	wrdreg $0x60  }
0xb0: {  	[dreg:$0x2] =	wrdreg s2  }
0xb1: {  	[dreg:$0x3] =	wrdreg s18  }
0xb2: {  	[dreg:$0x4] =	wrdreg s4  }
0xb3: {  	[dreg:$0x5] =	wrdreg s24  }
0xb4: {  	[dreg:$0x6] =	wrdreg $0x9  }
0xb5: {  	_ =	task.clear_ibuf [dreg:s9], $0x7FFFF;
	_ =	strace $0x90000046  }
0xb6: {  	s29 =	simm.s32 $0x9;
	_ =	strace $0x80000048  }
0xb7: {  	_ =	swait.ge [sflag:s29], $0x1  }
0xb8: {  	[sflag:s29] =	ssyncadd.s32 $0xFFFFFFFF  }
0xb9: {  	_ =	strace $0x90000048  }
0xba: {  	_ =	sfence  }
0xbb: {  	s30 =	sld [smem:$0x0];
	_ =	sdelay $0x2  }
0xbc: {  	s31 =	sshll.u32 s1, $0xD;
	s1 =	sshrl.u32 s1, $0x2  }
0xbd: {  	s3 =	sand.u32 $0x4000, s31;
	s1 =	sadd.s32 s1, s30  }
0xbe: {  	s0 =	sor.u32 s3, s0;
	s1 =	sshll.u32 s1, $0x11  }
0xbf: {  	s0 =	sor.u32 s1, s0  }
0xc0: {  	s0 =	sadd.s32 $0x8F2B, s0  }
0xc1: {  	[sflag:s0] =	ssyncadd.remote.s32 $0x1  }
0xc2: {  	_ =	sfence.sel $0xFFFF  }
0xc3: {  	[dreg:$0x0] =	wrdreg $0xFFFFFFFF;
	(pc) =	sbr.abs _section_cstart, $3  }
0xc4: {  	[dreg:$0x1] =	wrdreg $0xFFFFFFFF  }
0xc5: {  	_ =	task.clear_ibuf [dreg:s9], $0x2FFFF;
	_ =	strace $0x9FFFFFFF  }
0xc6: {  	(tm) =	ssettm $0x7FFFFFFF  }
0xc7: {  	_ =	shalt  }
tec
execute0_lowered:
.L_overlay_start_1:
0x0: {  	(tag) =	ssettag $0x1  }
0x1: {  	s3 =	rddreg [dreg:$0x0]  }
0x2: {  	s0 =	rddreg [dreg:$0x1]  }
0x3: {  	s1 =	rddreg [dreg:$0x2];
	s2 =	srdreg.scid  }
0x4: {  	s12 =	stileid.u32;
	s4 =	rddreg [dreg:$0x3]  }
0x5: {  	s5 =	sand.u32 $0x1, s2;
	s6 =	sshll.u32 s12, $0x1;
	s2 =	simm.s32 $0x0  }
0x6: {  	s4 =	sadd.s32 $0x400, s4;
	s15 =	smul.u32 $0x270, s12;
	s6 =	sor.u32 s5, s6  }
0x7: {  	p0 =	sgt.u32 s12, $0x7;
	s8 =	ssub.s32 $0x2, s5;
	s7 =	smul.u32 $0x138, s6  }
0x8: {  	[smem:$0x7FF] =	sst s2;
	s6 =	smin.u32 s6, $0x10;
	s9 =	sshrl.u32 s8, $0x1  }
0x9: {  	s21 =	smul.u32 $0x138, s5;
	s8 =	ssub.s32 s8, s9;
	s7 =	sadd.s32 s6, s7  }
0xa: {  	_ =	strace $0x80000047;
	s8 =	smax.u32 s8, $0x1;
	s22 =	sshll.u32 s7, $0x4  }
0xb: {  	s10 =	sadd.s32 $0x8, s7;
	s23 =	sshll.u32 s7, $0x8;
	s7 =	sadd.s32 $0x138, s7  }
0xc: {  	[dreg:$0xf] =	wrdreg s8;
	s13 =	sadd.s32 s3, s22;
	s11 =	sshll.u32 s10, $0x4  }
0xd: {  	s14 =	sadd.s32 s0, s23;
	s10 =	sshll.u32 s10, $0x8;
	s16 =	sadd.s32 s1, s23  }
0xe: {  	s25 =	sshll.u32 s7, $0x4;
	s26 =	sshll.u32 s7, $0x8;
	[dreg:$0x5] =	wrdreg s13  }
0xf: {  	s7 =	smul.u32 $0x280, s7;
	s24 =	sand.u32 $0x1FFFFF00, s10;
	[dreg:$0x6] =	wrdreg s14  }
0x10: {  	s10 =	sand.u32 $0x1FFFFFF0, s25;
	s25 =	sadd.s32 $0x10, s13;
	[dreg:$0x7] =	wrdreg s16  }
0x11: {  	s23 =	smul.u32 $0x61800, s12;
	s12 =	sadd.s32 $0x700, s14;
	[dreg:$0x10] =	wrdreg s25  }
0x12: {  	s5 =	smul.u32 $0x30C00, s5;
	s10 =	sadd.s32 s3, s10;
	[smem:$0x7E1] =	sst s12  }
0x13: {  	s7 =	sadd.s32 s4, s7;
	[dreg:$0xb] =	wrdreg s10  }
0x14: {  	s5 =	sadd.s32 s5, s23;
	[dreg:$0xe] =	wrdreg s7  }
0x15: {  	s11 =	sand.u32 $0x1FFFFFF0, s11;
	s25 =	sadd.s32 $0x20, s13;
	[dreg:$0x11] =	wrdreg s5  }
0x16: {  	s17 =	sadd.s32 s3, s11;
	[dreg:$0x19] =	wrdreg s25  }
0x17: {  	s22 =	smul.u32 $0x280, s6;
	s18 =	sadd.s32 s0, s24;
	[dreg:$0x8] =	wrdreg s17  }
0x18: {  	s19 =	sadd.s32 s1, s24;
	s11 =	sand.u32 $0x1FFFFF00, s26;
	[dreg:$0x9] =	wrdreg s18  }
0x19: {  	s24 =	sadd.s32 s21, s15;
	s20 =	sadd.s32 s0, s11;
	[dreg:$0xa] =	wrdreg s19  }
0x1a: {  	s15 =	sadd.s32 s22, s4;
	s9 =	sadd.s32 s1, s11;
	[dreg:$0xc] =	wrdreg s20  }
0x1b: {  	s6 =	sadd.s32 s6, s24;
	s25 =	sadd.s32 $0x600, s16;
	[dreg:$0xd] =	wrdreg s9  }
0x1c: {  	s12 =	sadd.s32 $0x400, s18;
	s26 =	sshll.u32 s6, $0x8;
	[smem:$0x7E7] =	sst s25  }
0x1d: {  	s6 =	sshll.u32 s6, $0x4;
	[smem:$0x7F3] =	sst s12;
	s25 =	sadd.s32 $0x600, s19  }
0x1e: {  	s7 =	sadd.s32 $0x2000, s26;
	s10 =	sadd.s32 s26, s0;
	s11 =	sadd.s32 s26, s1  }
0x1f: {  	s4 =	sadd.s32 $0x1000, s26;
	s26 =	sadd.s32 $0x30, s13;
	[smem:$0x7FC] =	sst s25  }
0x20: {  	s3 =	sadd.s32 s6, s3;
	s6 =	sadd.s32 $0x100, s14;
	[dreg:$0x1a] =	wrdreg s26  }
0x21: {  	s8 =	sadd.s32 s7, s0;
	[dreg:$0x1f] =	wrdreg s6  }
0x22: {  	s5 =	sadd.s32 s7, s1;
	[dreg:$0x12] =	wrdreg s8  }
0x23: {  	s9 =	sadd.s32 $0x200, s3;
	[dreg:$0x13] =	wrdreg s5  }
0x24: {  	s20 =	sadd.s32 $0x1800, s11;
	[dreg:$0x14] =	wrdreg s9  }
0x25: {  	s21 =	sadd.s32 $0x180, s3;
	[dreg:$0x16] =	wrdreg s20  }
0x26: {  	s24 =	sadd.s32 $0x100, s3;
	[dreg:$0x17] =	wrdreg s21  }
0x27: {  	s23 =	sadd.s32 s4, s1;
	s1 =	sadd.s32 $0x40, s13;
	[dreg:$0x18] =	wrdreg s24  }
0x28: {  	s3 =	sadd.s32 $0x50, s13;
	[dreg:$0x1b] =	wrdreg s1  }
0x29: {  	s22 =	sadd.s32 s4, s0;
	s4 =	sadd.s32 $0x60, s13;
	[dreg:$0x1c] =	wrdreg s3  }
0x2a: {  	s7 =	sadd.s32 $0x200, s14;
	[dreg:$0x1d] =	wrdreg s4  }
0x2b: {  	s11 =	sadd.s32 $0x600, s14;
	[smem:$0x7DC] =	sst s7  }
0x2c: {  	s26 =	sadd.s32 $0x700, s16;
	[smem:$0x7E0] =	sst s11  }
0x2d: {  	s6 =	sadd.s32 $0x50, s17;
	[smem:$0x7E8] =	sst s26  }
0x2e: {  	s5 =	sadd.s32 $0x1800, s10;
	[smem:$0x7ED] =	sst s6  }
0x2f: {  	s8 =	sadd.s32 $0x300, s14;
	[dreg:$0x15] =	wrdreg s5  }
0x30: {  	s9 =	sadd.s32 $0x400, s14;
	[smem:$0x7DD] =	sst s8  }
0x31: {  	s10 =	sadd.s32 $0x500, s14;
	[smem:$0x7DE] =	sst s9  }
0x32: {  	s14 =	sadd.s32 $0x200, s16;
	[smem:$0x7DF] =	sst s10  }
0x33: {  	s20 =	sadd.s32 $0x300, s16;
	[smem:$0x7E3] =	sst s14  }
0x34: {  	s21 =	sadd.s32 $0x400, s16;
	[smem:$0x7E4] =	sst s20  }
0x35: {  	s24 =	sadd.s32 $0x500, s16;
	[smem:$0x7E5] =	sst s21  }
0x36: {  	s1 =	sadd.s32 $0x10, s17;
	[smem:$0x7E6] =	sst s24  }
0x37: {  	s3 =	sadd.s32 $0x20, s17;
	[smem:$0x7E9] =	sst s1  }
0x38: {  	s4 =	sadd.s32 $0x30, s17;
	[smem:$0x7EA] =	sst s3  }
0x39: {  	s7 =	sadd.s32 $0x60, s17;
	[smem:$0x7EB] =	sst s4  }
0x3a: {  	s28 =	simm.s32 $0xA000;
	s11 =	sadd.s32 $0x300, s18;
	[smem:$0x7EE] =	sst s7  }
0x3b: {  	s29 =	simm.s32 $0xF000;
	s26 =	sadd.s32 $0x700, s19;
	[smem:$0x7F2] =	sst s11  }
0x3c: {  	s30 =	simm.s32 $0x11800;
	s5 =	sadd.s32 $0x70, s13;
	[smem:$0x7FD] =	sst s26  }
0x3d: {  	s31 =	simm.s32 $0x12C00;
	s13 =	sadd.s32 $0x100, s16;
	[dreg:$0x1e] =	wrdreg s5  }
0x3e: {  	s12 =	simm.s32 $0x0;
	s8 =	sadd.s32 $0x70, s17;
	[smem:$0x7E2] =	sst s13  }
0x3f: {  	s25 =	simm.s32 $0x10400;
	s9 =	sadd.s32 $0x100, s18;
	[smem:$0x7EF] =	sst s8  }
0x40: {  	s0 =	simm.s32 $0x15400;
	s10 =	sadd.s32 $0x200, s18;
	[smem:$0x7F0] =	sst s9  }
0x41: {  	s6 =	simm.s32 $0x1A400;
	s14 =	sadd.s32 $0x600, s18;
	[smem:$0x7F1] =	sst s10  }
0x42: {  	s16 =	sadd.s32 $0x700, s18;
	s20 =	sadd.s32 $0x300, s19;
	[smem:$0x7F5] =	sst s14  }
0x43: {  	s21 =	sadd.s32 $0x400, s19;
	s24 =	sadd.s32 $0x500, s19;
	[smem:$0x7F6] =	sst s16  }
0x44: {  	s1 =	simm.s32 $0x14000;
	s3 =	simm.s32 $0x16800;
	[smem:$0x7F9] =	sst s20  }
0x45: {  	s4 =	simm.s32 $0x17C00;
	s7 =	simm.s32 $0x1B800;
	[smem:$0x7FA] =	sst s21  }
0x46: {  	s5 =	sadd.s32 $0x40, s17;
	s13 =	sadd.s32 $0x500, s18;
	[smem:$0x7FB] =	sst s24  }
.Ltmp0:
0x47: {  	s17 =	sadd.s32 $0x100, s19;
	[smem:$0x7EC] =	sst s5;
	(pc) =	sbr.rel .LBB2_1-.Ltmp0, $4  }
0x48: {  	s18 =	sadd.s32 $0x200, s19;
	s24 =	simm.s32 $0xDC00;
	[smem:$0x7F4] =	sst s13  }
0x49: {  	s8 =	simm.s32 $0x1CC00;
	s21 =	simm.s32 $0x14080;
	[smem:$0x7F7] =	sst s17  }
0x4a: {  	s20 =	simm.s32 $0x3;
	s9 =	simm.s32 $0x5;
	[smem:$0x7F8] =	sst s18  }
0x4b: {  	s5 =	simm.s32 $0x19000;
	s17 =	simm.s32 $0x1;
	s18 =	simm.s32 $0x2  }
.LBB2_7:
0x4c: {  	s10 =	simm.s32 $0x4  }
0x4d: {  	_ =	swait.ge [sflag:s10], $0x8400  }
0x4e: {  	[sflag:s10] =	ssyncset.done $0x0  }
0x4f: {  	[sflag:s10] =	ssyncadd.s32 $0xFFFF7C00  }
0x50: {  	_ =	swait.ge [sflag:s9], $0x8400  }
0x51: {  	[sflag:s9] =	ssyncset.done $0x0  }
0x52: {  	s16 =	simm.s32 $0x6;
	[sflag:s9] =	ssyncadd.s32 $0xFFFF7C00  }
0x53: {  	_ =	swait.ge [sflag:s16], $0x8400  }
0x54: {  	[sflag:s16] =	ssyncset.done $0x0  }
0x55: {  	s10 =	simm.s32 @!p0 $0x0;
	s11 =	rddreg [dreg:$0xb];
	[sflag:s16] =	ssyncadd.s32 $0xFFFF7C00  }
0x56: {  	[tilespmem:s10], [sflag:$0x1] =	stream.linear.gather @!p0 [hbm4b:s11+s10], $0x80, $0x38;
	[tilespmem:$0x1E000] =	vst v63  }
0x57: {  	s12 =	rddreg [dreg:$0xc];
	s11 =	simm.s32 @!p0 $0x80  }
0x58: {  	[tilespmem:s11], [sflag:$0x1] =	stream.linear.gather @!p0 [hbm4b:s12+s10], $0x800, $0x38;
	[tilespmem:$0x1E000] =	vst v63  }
0x59: {  	s11 =	simm.s32 @!p0 $0x880;
	s12 =	rddreg [dreg:$0xd]  }
0x5a: {  	[tilespmem:s11], [sflag:$0x1] =	stream.linear.gather @!p0 [hbm4b:s12+s10], $0x800, $0x38;
	[tilespmem:$0x1E000] =	vst v63  }
0x5b: {  	s11 =	simm.s32 @!p0 $0x1  }
0x5c: {  	_ =	swait.ge @!p0 [sflag:s11], $0x80  }
0x5d: {  	[sflag:s11] =	ssyncset.done @!p0 $0x0  }
0x5e: {  	[sflag:s11] =	ssyncadd.s32 @!p0 $0xFFFFFF80  }
0x5f: {  	_ =	swait.ge @!p0 [sflag:s11], $0x800  }
0x60: {  	[sflag:s11] =	ssyncset.done @!p0 $0x0  }
0x61: {  	[sflag:s11] =	ssyncadd.s32 @!p0 $0xFFFFF800  }
0x62: {  	_ =	swait.ge @!p0 [sflag:s11], $0x800  }
0x63: {  	[sflag:s11] =	ssyncset.done @!p0 $0x0  }
0x64: {  	[sflag:s11] =	ssyncadd.s32 @!p0 $0xFFFFF800;
	s11 =	rddreg [dreg:$0xe]  }
0x65: {  	[hbm4b:s11+s10] =	stream.linear.scatter @!p0 [tilespmem:s10], [sflag:$0x7], $0x1080, $0x38;
	[tilespmem:$0x1E000] =	vst v63  }
0x66: {  	s10 =	simm.s32 @!p0 $0x7  }
0x67: {  	_ =	swait.ge @!p0 [sflag:s10], $0x1080  }
0x68: {  	s19 =	sld [smem:$0x7DB];
	_ =	sdelay $0x2  }
0x69: {  	s26 =	rddreg [dreg:$0xf];
	s12 =	sadd.s32 $0x1, s19  }
0x6a: {  	p1 =	sne.s32 s12, s26  }
.Ltmp1:
0x6b: {  	_ = 	snop;
	(pc) =	sbr.rel @!p1 .LBB2_8-.Ltmp1, $3  }
0x6c: {  	_ =	sdelay $0x1  }
0x6d: {  	[sflag:s10] =	ssyncset.done @!p0 $0x0  }
0x6e: {  	[sflag:s10] =	ssyncadd.s32 @!p0 $0xFFFFEF80  }
.LBB2_1:
0x6f: {  	[smem:$0x7DB] =	sst s12  }
0x70: {  	s10 =	rddreg [dreg:$0x5]  }
0x71: {  	s26 =	rddreg [dreg:$0x10]  }
0x72: {  	s12 =	rddreg [dreg:$0x19]  }
0x73: {  	s14 =	rddreg [dreg:$0x1a]  }
0x74: {  	[tilespmem:s2], [sflag:$0x1] =	stream.linear.gather [hbm4b:s10+s2], $0x80, $0x38;
	[tilespmem:$0x1E000] =	vst v63  }
0x75: {  	s11 =	simm.s32 $0x1400;
	s19 =	rddreg [dreg:$0x1b]  }
0x76: {  	[tilespmem:s11], [sflag:$0x1] =	stream.linear.gather [hbm4b:s26+s2], $0x80, $0x38;
	[tilespmem:$0x1E000] =	vst v63  }
0x77: {  	s13 =	simm.s32 $0x2800;
	s10 =	rddreg [dreg:$0x18]  }
0x78: {  	[tilespmem:s13], [sflag:$0x1] =	stream.linear.gather [hbm4b:s12+s2], $0x80, $0x38;
	[tilespmem:$0x1E000] =	vst v63  }
0x79: {  	s16 =	simm.s32 $0x3C00;
	s11 =	sld [smem:$0x7E8]  }
0x7a: {  	[tilespmem:s16], [sflag:$0x1] =	stream.linear.gather [hbm4b:s14+s2], $0x80, $0x38;
	[tilespmem:$0x1E000] =	vst v63  }
0x7b: {  	s26 =	simm.s32 $0x5000;
	s12 =	rddreg [dreg:$0x1c]  }
0x7c: {  	[tilespmem:s26], [sflag:$0x1] =	stream.linear.gather [hbm4b:s19+s2], $0x80, $0x38;
	[tilespmem:$0x1E000] =	vst v63  }
0x7d: {  	s13 =	simm.s32 $0x6400;
	s14 =	rddreg [dreg:$0x1d]  }
0x7e: {  	[tilespmem:s13], [sflag:$0x1] =	stream.linear.gather [hbm4b:s12+s2], $0x80, $0x38;
	[tilespmem:$0x1E000] =	vst v63  }
0x7f: {  	s16 =	simm.s32 $0x7800;
	s19 =	rddreg [dreg:$0x1e]  }
0x80: {  	[tilespmem:s16], [sflag:$0x1] =	stream.linear.gather [hbm4b:s14+s2], $0x80, $0x38;
	[tilespmem:$0x1E000] =	vst v63  }
0x81: {  	s26 =	simm.s32 $0x8C00;
	s12 =	rddreg [dreg:$0x6]  }
0x82: {  	[tilespmem:s26], [sflag:$0x1] =	stream.linear.gather [hbm4b:s19+s2], $0x80, $0x38;
	[tilespmem:$0x1E000] =	vst v63  }
0x83: {  	s13 =	simm.s32 $0x80;
	s14 =	rddreg [dreg:$0x1f]  }
0x84: {  	[tilespmem:s13], [sflag:$0x1] =	stream.linear.gather [hbm4b:s12+s2], $0x800, $0x38;
	[tilespmem:$0x1E000] =	vst v63  }
0x85: {  	s16 =	simm.s32 $0x1480;
	s19 =	sld [smem:$0x7DC]  }
0x86: {  	[tilespmem:s16], [sflag:$0x1] =	stream.linear.gather [hbm4b:s14+s2], $0x800, $0x38;
	[tilespmem:$0x1E000] =	vst v63  }
0x87: {  	s26 =	simm.s32 $0x2880;
	s12 =	sld [smem:$0x7DD]  }
0x88: {  	[tilespmem:s26], [sflag:$0x1] =	stream.linear.gather [hbm4b:s19+s2], $0x800, $0x38;
	[tilespmem:$0x1E000] =	vst v63  }
0x89: {  	s13 =	simm.s32 $0x3C80;
	s14 =	sld [smem:$0x7DE]  }
0x8a: {  	[tilespmem:s13], [sflag:$0x1] =	stream.linear.gather [hbm4b:s12+s2], $0x800, $0x38;
	[tilespmem:$0x1E000] =	vst v63  }
0x8b: {  	s16 =	simm.s32 $0x5080;
	s19 =	sld [smem:$0x7DF]  }
0x8c: {  	[tilespmem:s16], [sflag:$0x1] =	stream.linear.gather [hbm4b:s14+s2], $0x800, $0x38;
	[tilespmem:$0x1E000] =	vst v63  }
0x8d: {  	s26 =	simm.s32 $0x6480;
	s12 =	sld [smem:$0x7E0]  }
0x8e: {  	[tilespmem:s26], [sflag:$0x1] =	stream.linear.gather [hbm4b:s19+s2], $0x800, $0x38;
	[tilespmem:$0x1E000] =	vst v63  }
0x8f: {  	s13 =	simm.s32 $0x7880;
	s14 =	sld [smem:$0x7E1]  }
0x90: {  	[tilespmem:s13], [sflag:$0x1] =	stream.linear.gather [hbm4b:s12+s2], $0x800, $0x38;
	[tilespmem:$0x1E000] =	vst v63  }
0x91: {  	s16 =	simm.s32 $0x8C80;
	s19 =	rddreg [dreg:$0x7]  }
0x92: {  	[tilespmem:s16], [sflag:$0x1] =	stream.linear.gather [hbm4b:s14+s2], $0x800, $0x38;
	[tilespmem:$0x1E000] =	vst v63  }
0x93: {  	s26 =	simm.s32 $0x880;
	s12 =	sld [smem:$0x7E2]  }
0x94: {  	[tilespmem:s26], [sflag:$0x1] =	stream.linear.gather [hbm4b:s19+s2], $0x800, $0x38;
	[tilespmem:$0x1E000] =	vst v63  }
0x95: {  	s13 =	simm.s32 $0x1C80;
	s14 =	sld [smem:$0x7E3]  }
0x96: {  	[tilespmem:s13], [sflag:$0x1] =	stream.linear.gather [hbm4b:s12+s2], $0x800, $0x38;
	[tilespmem:$0x1E000] =	vst v63  }
0x97: {  	s16 =	simm.s32 $0x3080;
	s19 =	sld [smem:$0x7E4]  }
0x98: {  	[tilespmem:s16], [sflag:$0x1] =	stream.linear.gather [hbm4b:s14+s2], $0x800, $0x38;
	[tilespmem:$0x1E000] =	vst v63  }
0x99: {  	s26 =	simm.s32 $0x4480;
	s12 =	sld [smem:$0x7E5]  }
0x9a: {  	[tilespmem:s26], [sflag:$0x1] =	stream.linear.gather [hbm4b:s19+s2], $0x800, $0x38;
	[tilespmem:$0x1E000] =	vst v63  }
0x9b: {  	s13 =	simm.s32 $0x5880;
	s14 =	sld [smem:$0x7E6]  }
0x9c: {  	[tilespmem:s13], [sflag:$0x1] =	stream.linear.gather [hbm4b:s12+s2], $0x800, $0x38;
	[tilespmem:$0x1E000] =	vst v63  }
0x9d: {  	s16 =	simm.s32 $0x6C80;
	s19 =	sld [smem:$0x7E7]  }
0x9e: {  	[tilespmem:s16], [sflag:$0x1] =	stream.linear.gather [hbm4b:s14+s2], $0x800, $0x38;
	[tilespmem:$0x1E000] =	vst v63  }
0x9f: {  	s26 =	simm.s32 $0x8080;
	s13 =	rddreg [dreg:$0x8]  }
0xa0: {  	[tilespmem:s26], [sflag:$0x1] =	stream.linear.gather [hbm4b:s19+s2], $0x800, $0x38;
	[tilespmem:$0x1E000] =	vst v63  }
0xa1: {  	s12 =	simm.s32 $0x9480;
	s14 =	sld [smem:$0x7E9]  }
0xa2: {  	[tilespmem:s12], [sflag:$0x1] =	stream.linear.gather [hbm4b:s11+s2], $0x800, $0x38;
	[tilespmem:$0x1E000] =	vst v63  }
0xa3: {  	s19 =	sld [smem:$0x7EA]  }
0xa4: {  	[tilespmem:s28], [sflag:$0x2] =	stream.linear.gather [hbm4b:s13+s2], $0x80, $0x38;
	[tilespmem:$0x1E000] =	vst v63  }
0xa5: {  	s16 =	simm.s32 $0xB400;
	s11 =	sld [smem:$0x7EB]  }
0xa6: {  	[tilespmem:s16], [sflag:$0x2] =	stream.linear.gather [hbm4b:s14+s2], $0x80, $0x38;
	[tilespmem:$0x1E000] =	vst v63  }
0xa7: {  	s26 =	simm.s32 $0xC800;
	s12 =	sld [smem:$0x7EC]  }
0xa8: {  	[tilespmem:s26], [sflag:$0x2] =	stream.linear.gather [hbm4b:s19+s2], $0x80, $0x38;
	[tilespmem:$0x1E000] =	vst v63  }
0xa9: {  	s13 =	sld [smem:$0x7ED]  }
0xaa: {  	[tilespmem:s24], [sflag:$0x2] =	stream.linear.gather [hbm4b:s11+s2], $0x80, $0x38;
	[tilespmem:$0x1E000] =	vst v63  }
0xab: {  	s14 =	sld [smem:$0x7EE]  }
0xac: {  	[tilespmem:s29], [sflag:$0x2] =	stream.linear.gather [hbm4b:s12+s2], $0x80, $0x38;
	[tilespmem:$0x1E000] =	vst v63  }
0xad: {  	s16 =	sld [smem:$0x7EF]  }
0xae: {  	[tilespmem:s25], [sflag:$0x2] =	stream.linear.gather [hbm4b:s13+s2], $0x80, $0x38;
	[tilespmem:$0x1E000] =	vst v63  }
0xaf: {  	s19 =	rddreg [dreg:$0x9]  }
0xb0: {  	[tilespmem:s30], [sflag:$0x2] =	stream.linear.gather [hbm4b:s14+s2], $0x80, $0x38;
	[tilespmem:$0x1E000] =	vst v63  }
0xb1: {  	s11 =	rddreg [dreg:$0x17]  }
0xb2: {  	[tilespmem:s31], [sflag:$0x2] =	stream.linear.gather [hbm4b:s16+s2], $0x80, $0x38;
	[tilespmem:$0x1E000] =	vst v63  }
0xb3: {  	s26 =	simm.s32 $0xA080;
	s12 =	sld [smem:$0x7F0]  }
0xb4: {  	[tilespmem:s26], [sflag:$0x2] =	stream.linear.gather [hbm4b:s19+s2], $0x800, $0x38;
	[tilespmem:$0x1E000] =	vst v63  }
0xb5: {  	s13 =	simm.s32 $0xB480;
	s14 =	sld [smem:$0x7F1]  }
0xb6: {  	[tilespmem:s13], [sflag:$0x2] =	stream.linear.gather [hbm4b:s12+s2], $0x800, $0x38;
	[tilespmem:$0x1E000] =	vst v63  }
0xb7: {  	s16 =	simm.s32 $0xC880;
	s19 =	sld [smem:$0x7F2]  }
0xb8: {  	[tilespmem:s16], [sflag:$0x2] =	stream.linear.gather [hbm4b:s14+s2], $0x800, $0x38;
	[tilespmem:$0x1E000] =	vst v63  }
0xb9: {  	s26 =	simm.s32 $0xDC80;
	s12 =	sld [smem:$0x7F3]  }
0xba: {  	[tilespmem:s26], [sflag:$0x2] =	stream.linear.gather [hbm4b:s19+s2], $0x800, $0x38;
	[tilespmem:$0x1E000] =	vst v63  }
0xbb: {  	s13 =	simm.s32 $0xF080;
	s14 =	sld [smem:$0x7F4]  }
0xbc: {  	[tilespmem:s13], [sflag:$0x2] =	stream.linear.gather [hbm4b:s12+s2], $0x800, $0x38;
	[tilespmem:$0x1E000] =	vst v63  }
0xbd: {  	s16 =	simm.s32 $0x10480;
	s19 =	sld [smem:$0x7F5]  }
0xbe: {  	[tilespmem:s16], [sflag:$0x2] =	stream.linear.gather [hbm4b:s14+s2], $0x800, $0x38;
	[tilespmem:$0x1E000] =	vst v63  }
0xbf: {  	s26 =	simm.s32 $0x11880;
	s12 =	sld [smem:$0x7F6]  }
0xc0: {  	[tilespmem:s26], [sflag:$0x2] =	stream.linear.gather [hbm4b:s19+s2], $0x800, $0x38;
	[tilespmem:$0x1E000] =	vst v63  }
0xc1: {  	s13 =	simm.s32 $0x12C80;
	s14 =	rddreg [dreg:$0xa]  }
0xc2: {  	[tilespmem:s13], [sflag:$0x2] =	stream.linear.gather [hbm4b:s12+s2], $0x800, $0x38;
	[tilespmem:$0x1E000] =	vst v63  }
0xc3: {  	s16 =	simm.s32 $0xA880;
	s19 =	sld [smem:$0x7F7]  }
0xc4: {  	[tilespmem:s16], [sflag:$0x2] =	stream.linear.gather [hbm4b:s14+s2], $0x800, $0x38;
	[tilespmem:$0x1E000] =	vst v63  }
0xc5: {  	s26 =	simm.s32 $0xBC80;
	s12 =	sld [smem:$0x7F8]  }
0xc6: {  	[tilespmem:s26], [sflag:$0x2] =	stream.linear.gather [hbm4b:s19+s2], $0x800, $0x38;
	[tilespmem:$0x1E000] =	vst v63  }
0xc7: {  	s13 =	simm.s32 $0xD080;
	s14 =	sld [smem:$0x7F9]  }
0xc8: {  	[tilespmem:s13], [sflag:$0x2] =	stream.linear.gather [hbm4b:s12+s2], $0x800, $0x38;
	[tilespmem:$0x1E000] =	vst v63  }
0xc9: {  	s16 =	simm.s32 $0xE480;
	s19 =	sld [smem:$0x7FA]  }
0xca: {  	[tilespmem:s16], [sflag:$0x2] =	stream.linear.gather [hbm4b:s14+s2], $0x800, $0x38;
	[tilespmem:$0x1E000] =	vst v63  }
0xcb: {  	s26 =	simm.s32 $0xF880;
	s12 =	sld [smem:$0x7FB]  }
0xcc: {  	[tilespmem:s26], [sflag:$0x2] =	stream.linear.gather [hbm4b:s19+s2], $0x800, $0x38;
	[tilespmem:$0x1E000] =	vst v63  }
0xcd: {  	s13 =	simm.s32 $0x10C80;
	s14 =	sld [smem:$0x7FC]  }
0xce: {  	[tilespmem:s13], [sflag:$0x2] =	stream.linear.gather [hbm4b:s12+s2], $0x800, $0x38;
	[tilespmem:$0x1E000] =	vst v63  }
.Ltmp2:
0xcf: {  	s19 =	sld [smem:$0x7FD];
	(pc) =	sbr.rel .LBB2_2-.Ltmp2, $4  }
0xd0: {  	s16 =	simm.s32 $0x12080;
	s12 =	rddreg [dreg:$0x14]  }
0xd1: {  	[tilespmem:s16], [sflag:$0x2] =	stream.linear.gather [hbm4b:s14+s2], $0x800, $0x38;
	[tilespmem:$0x1E000] =	vst v63  }
0xd2: {  	s26 =	simm.s32 $0x13480;
	s13 =	rddreg [dreg:$0x11];
	s14 =	simm.s32 $0x0  }
0xd3: {  	[tilespmem:s26], [sflag:$0x2] =	stream.linear.gather [hbm4b:s19+s2], $0x800, $0x38;
	[tilespmem:$0x1E000] =	vst v63  }
.LBB2_6:
0xd4: {  	_ =	swait.ge [sflag:s20], $0x400  }
0xd5: {  	[sflag:s20] =	ssyncset.done $0x0  }
0xd6: {  	[sflag:s20] =	ssyncadd.s32 $0xFFFFFC00  }
0xd7: {  	_ =	swait.ge [sflag:s20], $0x4000  }
0xd8: {  	[sflag:s20] =	ssyncset.done $0x0  }
0xd9: {  	[sflag:s20] =	ssyncadd.s32 $0xFFFFC000  }
0xda: {  	_ =	swait.ge [sflag:s20], $0x4000  }
0xdb: {  	[sflag:s20] =	ssyncset.done $0x0  }
0xdc: {  	s19 =	sadd.s32 $0x2800, s16;
	[sflag:s20] =	ssyncadd.s32 $0xFFFFC000  }
0xdd: {  	[hbm4b:s19+s2] =	stream.linear.scatter [tilespmem:s1], [sflag:$0x6], $0x1080, $0x38;
	[tilespmem:$0x1E000] =	vst v63  }
0xde: {  	s26 =	sadd.s32 $0x2A80, s16  }
0xdf: {  	[hbm4b:s26+s2] =	stream.linear.scatter [tilespmem:s0], [sflag:$0x6], $0x1080, $0x38;
	[tilespmem:$0x1E000] =	vst v63  }
0xe0: {  	s26 =	sadd.s32 $0x2D00, s16  }
0xe1: {  	[hbm4b:s26+s2] =	stream.linear.scatter [tilespmem:s3], [sflag:$0x6], $0x1080, $0x38;
	[tilespmem:$0x1E000] =	vst v63  }
0xe2: {  	s26 =	sadd.s32 $0x2F80, s16  }
0xe3: {  	[hbm4b:s26+s2] =	stream.linear.scatter [tilespmem:s4], [sflag:$0x6], $0x1080, $0x38;
	[tilespmem:$0x1E000] =	vst v63  }
0xe4: {  	s14 =	sadd.s32 $0x1800, s14;
	s26 =	sadd.s32 $0x3200, s16  }
0xe5: {  	[hbm4b:s26+s2] =	stream.linear.scatter [tilespmem:s5], [sflag:$0x6], $0x1080, $0x38;
	[tilespmem:$0x1E000] =	vst v63  }
0xe6: {  	p1 =	sne.s32 s14, $0x13800;
	s26 =	sadd.s32 $0x3480, s16  }
0xe7: {  	[hbm4b:s26+s2] =	stream.linear.scatter [tilespmem:s6], [sflag:$0x6], $0x1080, $0x38;
	[tilespmem:$0x1E000] =	vst v63  }
.Ltmp3:
0xe8: {  	_ = 	snop;
	(pc) =	sbr.rel @!p1 .LBB2_7-.Ltmp3, $4  }
0xe9: {  	s13 =	sadd.s32 $0x3C00, s13;
	s12 =	sadd.s32 $0x180, s12;
	s26 =	sadd.s32 $0x3700, s16  }
0xea: {  	[hbm4b:s26+s2] =	stream.linear.scatter [tilespmem:s7], [sflag:$0x6], $0x1080, $0x38;
	[tilespmem:$0x1E000] =	vst v63  }
0xeb: {  	s11 =	sadd.s32 $0x180, s11;
	s10 =	sadd.s32 $0x180, s10;
	s26 =	sadd.s32 $0x3980, s16  }
0xec: {  	[hbm4b:s26+s2] =	stream.linear.scatter [tilespmem:s8], [sflag:$0x6], $0x1080, $0x38;
	[tilespmem:$0x1E000] =	vst v63  }
.LBB2_2:
0xed: {  	p1 =	seq.s32 s14, $0x0  }
0xee: {  	s16 =	simm.s32 @!p1 $0x6  }
0xef: {  	_ =	swait.ge @!p1 [sflag:s16], $0x8400  }
0xf0: {  	[sflag:s16] =	ssyncset.done @!p1 $0x0  }
0xf1: {  	[sflag:s16] =	ssyncadd.s32 @!p1 $0xFFFF7C00  }
0xf2: {  	[tilespmem:s1], [sflag:$0x3] =	stream.linear.gather [hbm4b:s10+s2], $0x80, $0x38;
	[tilespmem:$0x1E000] =	vst v63  }
0xf3: {  	s19 =	sadd.s32 $0x10, s10  }
0xf4: {  	[tilespmem:s0], [sflag:$0x3] =	stream.linear.gather [hbm4b:s19+s2], $0x80, $0x38;
	[tilespmem:$0x1E000] =	vst v63  }
0xf5: {  	s26 =	sadd.s32 $0x20, s10  }
0xf6: {  	[tilespmem:s3], [sflag:$0x3] =	stream.linear.gather [hbm4b:s26+s2], $0x80, $0x38;
	[tilespmem:$0x1E000] =	vst v63  }
0xf7: {  	s19 =	sadd.s32 $0x30, s10  }
0xf8: {  	[tilespmem:s4], [sflag:$0x3] =	stream.linear.gather [hbm4b:s19+s2], $0x80, $0x38;
	[tilespmem:$0x1E000] =	vst v63  }
0xf9: {  	s26 =	sadd.s32 $0x40, s10  }
0xfa: {  	[tilespmem:s5], [sflag:$0x3] =	stream.linear.gather [hbm4b:s26+s2], $0x80, $0x38;
	[tilespmem:$0x1E000] =	vst v63  }
0xfb: {  	s19 =	sadd.s32 $0x50, s10  }
0xfc: {  	[tilespmem:s6], [sflag:$0x3] =	stream.linear.gather [hbm4b:s19+s2], $0x80, $0x38;
	[tilespmem:$0x1E000] =	vst v63  }
0xfd: {  	s26 =	sadd.s32 $0x60, s10  }
0xfe: {  	[tilespmem:s7], [sflag:$0x3] =	stream.linear.gather [hbm4b:s26+s2], $0x80, $0x38;
	[tilespmem:$0x1E000] =	vst v63  }
0xff: {  	s19 =	sadd.s32 $0x70, s10  }
0x100: {  	[tilespmem:s8], [sflag:$0x3] =	stream.linear.gather [hbm4b:s19+s2], $0x80, $0x38;
	[tilespmem:$0x1E000] =	vst v63  }
0x101: {  	s16 =	sadd.s32 s14, s22  }
0x102: {  	[tilespmem:s21], [sflag:$0x3] =	stream.linear.gather [hbm4b:s16+s2], $0x800, $0x38;
	[tilespmem:$0x1E000] =	vst v63  }
0x103: {  	s26 =	simm.s32 $0x15480;
	s19 =	sadd.s32 $0x100, s16  }
0x104: {  	[tilespmem:s26], [sflag:$0x3] =	stream.linear.gather [hbm4b:s19+s2], $0x800, $0x38;
	[tilespmem:$0x1E000] =	vst v63  }
0x105: {  	s19 =	sadd.s32 $0x200, s16;
	s26 =	simm.s32 $0x16880  }
0x106: {  	[tilespmem:s26], [sflag:$0x3] =	stream.linear.gather [hbm4b:s19+s2], $0x800, $0x38;
	[tilespmem:$0x1E000] =	vst v63  }
0x107: {  	s19 =	sadd.s32 $0x300, s16;
	s26 =	simm.s32 $0x17C80  }
0x108: {  	[tilespmem:s26], [sflag:$0x3] =	stream.linear.gather [hbm4b:s19+s2], $0x800, $0x38;
	[tilespmem:$0x1E000] =	vst v63  }
0x109: {  	s19 =	sadd.s32 $0x400, s16;
	s26 =	simm.s32 $0x19080  }
0x10a: {  	[tilespmem:s26], [sflag:$0x3] =	stream.linear.gather [hbm4b:s19+s2], $0x800, $0x38;
	[tilespmem:$0x1E000] =	vst v63  }
0x10b: {  	s19 =	sadd.s32 $0x500, s16;
	s26 =	simm.s32 $0x1A480  }
0x10c: {  	[tilespmem:s26], [sflag:$0x3] =	stream.linear.gather [hbm4b:s19+s2], $0x800, $0x38;
	[tilespmem:$0x1E000] =	vst v63  }
0x10d: {  	s19 =	sadd.s32 $0x600, s16;
	s26 =	simm.s32 $0x1B880  }
0x10e: {  	[tilespmem:s26], [sflag:$0x3] =	stream.linear.gather [hbm4b:s19+s2], $0x800, $0x38;
	[tilespmem:$0x1E000] =	vst v63  }
0x10f: {  	s16 =	sadd.s32 $0x700, s16;
	s26 =	simm.s32 $0x1CC80  }
0x110: {  	[tilespmem:s26], [sflag:$0x3] =	stream.linear.gather [hbm4b:s16+s2], $0x800, $0x38;
	[tilespmem:$0x1E000] =	vst v63  }
0x111: {  	s16 =	sadd.s32 s14, s23;
	s26 =	simm.s32 $0x14880  }
0x112: {  	[tilespmem:s26], [sflag:$0x3] =	stream.linear.gather [hbm4b:s16+s2], $0x800, $0x38;
	[tilespmem:$0x1E000] =	vst v63  }
0x113: {  	s19 =	sadd.s32 $0x100, s16;
	s26 =	simm.s32 $0x15C80  }
0x114: {  	[tilespmem:s26], [sflag:$0x3] =	stream.linear.gather [hbm4b:s19+s2], $0x800, $0x38;
	[tilespmem:$0x1E000] =	vst v63  }
0x115: {  	s19 =	sadd.s32 $0x200, s16;
	s26 =	simm.s32 $0x17080  }
0x116: {  	[tilespmem:s26], [sflag:$0x3] =	stream.linear.gather [hbm4b:s19+s2], $0x800, $0x38;
	[tilespmem:$0x1E000] =	vst v63  }
0x117: {  	s19 =	sadd.s32 $0x300, s16;
	s26 =	simm.s32 $0x18480  }
0x118: {  	[tilespmem:s26], [sflag:$0x3] =	stream.linear.gather [hbm4b:s19+s2], $0x800, $0x38;
	[tilespmem:$0x1E000] =	vst v63  }
0x119: {  	s19 =	sadd.s32 $0x400, s16;
	s26 =	simm.s32 $0x19880  }
0x11a: {  	[tilespmem:s26], [sflag:$0x3] =	stream.linear.gather [hbm4b:s19+s2], $0x800, $0x38;
	[tilespmem:$0x1E000] =	vst v63  }
0x11b: {  	s19 =	sadd.s32 $0x500, s16;
	s26 =	simm.s32 $0x1AC80  }
0x11c: {  	[tilespmem:s26], [sflag:$0x3] =	stream.linear.gather [hbm4b:s19+s2], $0x800, $0x38;
	[tilespmem:$0x1E000] =	vst v63  }
0x11d: {  	s19 =	sadd.s32 $0x600, s16;
	s26 =	simm.s32 $0x1C080  }
0x11e: {  	[tilespmem:s26], [sflag:$0x3] =	stream.linear.gather [hbm4b:s19+s2], $0x800, $0x38;
	[tilespmem:$0x1E000] =	vst v63  }
0x11f: {  	s16 =	sadd.s32 $0x700, s16;
	s26 =	simm.s32 $0x1D480  }
0x120: {  	[tilespmem:s26], [sflag:$0x3] =	stream.linear.gather [hbm4b:s16+s2], $0x800, $0x38;
	[tilespmem:$0x1E000] =	vst v63  }
0x121: {  	_ =	swait.ge [sflag:s17], $0x400  }
0x122: {  	[sflag:s17] =	ssyncset.done $0x0  }
0x123: {  	[sflag:s17] =	ssyncadd.s32 $0xFFFFFC00  }
0x124: {  	_ =	swait.ge [sflag:s17], $0x4000  }
0x125: {  	[sflag:s17] =	ssyncset.done $0x0  }
0x126: {  	[sflag:s17] =	ssyncadd.s32 $0xFFFFC000  }
0x127: {  	_ =	swait.ge [sflag:s17], $0x4000  }
0x128: {  	[sflag:s17] =	ssyncset.done $0x0  }
0x129: {  	s16 =	sadd.s32 s13, s15;
	[sflag:s17] =	ssyncadd.s32 $0xFFFFC000  }
0x12a: {  	[hbm4b:s16+s2] =	stream.linear.scatter [tilespmem:s2], [sflag:$0x4], $0x1080, $0x38;
	[tilespmem:$0x1E000] =	vst v63  }
0x12b: {  	s26 =	simm.s32 $0x1400;
	s19 =	sadd.s32 $0x280, s16  }
0x12c: {  	[hbm4b:s19+s2] =	stream.linear.scatter [tilespmem:s26], [sflag:$0x4], $0x1080, $0x38;
	[tilespmem:$0x1E000] =	vst v63  }
0x12d: {  	s19 =	sadd.s32 $0x500, s16;
	s26 =	simm.s32 $0x2800  }
0x12e: {  	[hbm4b:s19+s2] =	stream.linear.scatter [tilespmem:s26], [sflag:$0x4], $0x1080, $0x38;
	[tilespmem:$0x1E000] =	vst v63  }
0x12f: {  	s19 =	sadd.s32 $0x780, s16;
	s26 =	simm.s32 $0x3C00  }
0x130: {  	[hbm4b:s19+s2] =	stream.linear.scatter [tilespmem:s26], [sflag:$0x4], $0x1080, $0x38;
	[tilespmem:$0x1E000] =	vst v63  }
0x131: {  	s19 =	sadd.s32 $0xA00, s16;
	s26 =	simm.s32 $0x5000  }
0x132: {  	[hbm4b:s19+s2] =	stream.linear.scatter [tilespmem:s26], [sflag:$0x4], $0x1080, $0x38;
	[tilespmem:$0x1E000] =	vst v63  }
0x133: {  	p1 =	seq.s32 s14, $0x12000;
	s19 =	sadd.s32 $0xC80, s16;
	s26 =	simm.s32 $0x6400  }
0x134: {  	[hbm4b:s19+s2] =	stream.linear.scatter [tilespmem:s26], [sflag:$0x4], $0x1080, $0x38;
	[tilespmem:$0x1E000] =	vst v63  }
.Ltmp4:
0x135: {  	_ = 	snop;
	(pc) =	sbr.rel @p1 .LBB2_4-.Ltmp4, $4  }
0x136: {  	s19 =	sadd.s32 $0xF00, s16;
	s26 =	simm.s32 $0x7800  }
0x137: {  	[hbm4b:s19+s2] =	stream.linear.scatter [tilespmem:s26], [sflag:$0x4], $0x1080, $0x38;
	[tilespmem:$0x1E000] =	vst v63  }
0x138: {  	s19 =	sadd.s32 $0x1180, s16;
	s26 =	simm.s32 $0x8C00  }
0x139: {  	[hbm4b:s19+s2] =	stream.linear.scatter [tilespmem:s26], [sflag:$0x4], $0x1080, $0x38;
	[tilespmem:$0x1E000] =	vst v63  }
0x13a: {  	s19 =	simm.s32 $0x4  }
0x13b: {  	_ =	swait.ge [sflag:s19], $0x8400  }
0x13c: {  	[sflag:s19] =	ssyncset.done $0x0  }
0x13d: {  	[sflag:s19] =	ssyncadd.s32 $0xFFFF7C00  }
0x13e: {  	[tilespmem:s2], [sflag:$0x1] =	stream.linear.gather [hbm4b:s11+s2], $0x80, $0x38;
	[tilespmem:$0x1E000] =	vst v63  }
0x13f: {  	s26 =	simm.s32 $0x1400;
	s19 =	sadd.s32 $0x10, s11  }
0x140: {  	[tilespmem:s26], [sflag:$0x1] =	stream.linear.gather [hbm4b:s19+s2], $0x80, $0x38;
	[tilespmem:$0x1E000] =	vst v63  }
0x141: {  	s19 =	sadd.s32 $0x20, s11;
	s26 =	simm.s32 $0x2800  }
0x142: {  	[tilespmem:s26], [sflag:$0x1] =	stream.linear.gather [hbm4b:s19+s2], $0x80, $0x38;
	[tilespmem:$0x1E000] =	vst v63  }
0x143: {  	s19 =	sadd.s32 $0x30, s11;
	s26 =	simm.s32 $0x3C00  }
0x144: {  	[tilespmem:s26], [sflag:$0x1] =	stream.linear.gather [hbm4b:s19+s2], $0x80, $0x38;
	[tilespmem:$0x1E000] =	vst v63  }
0x145: {  	s19 =	sadd.s32 $0x40, s11;
	s26 =	simm.s32 $0x5000  }
0x146: {  	[tilespmem:s26], [sflag:$0x1] =	stream.linear.gather [hbm4b:s19+s2], $0x80, $0x38;
	[tilespmem:$0x1E000] =	vst v63  }
0x147: {  	s19 =	sadd.s32 $0x50, s11;
	s26 =	simm.s32 $0x6400  }
0x148: {  	[tilespmem:s26], [sflag:$0x1] =	stream.linear.gather [hbm4b:s19+s2], $0x80, $0x38;
	[tilespmem:$0x1E000] =	vst v63  }
0x149: {  	s19 =	sadd.s32 $0x60, s11;
	s26 =	simm.s32 $0x7800  }
0x14a: {  	[tilespmem:s26], [sflag:$0x1] =	stream.linear.gather [hbm4b:s19+s2], $0x80, $0x38;
	[tilespmem:$0x1E000] =	vst v63  }
0x14b: {  	s19 =	sadd.s32 $0x70, s11;
	s26 =	simm.s32 $0x8C00  }
0x14c: {  	[tilespmem:s26], [sflag:$0x1] =	stream.linear.gather [hbm4b:s19+s2], $0x80, $0x38;
	[tilespmem:$0x1E000] =	vst v63  }
0x14d: {  	s26 =	rddreg [dreg:$0x15]  }
0x14e: {  	s19 =	sadd.s32 s14, s26;
	s26 =	simm.s32 $0x80  }
0x14f: {  	[tilespmem:s26], [sflag:$0x1] =	stream.linear.gather [hbm4b:s19+s2], $0x800, $0x38;
	[tilespmem:$0x1E000] =	vst v63  }
0x150: {  	s28 =	simm.s32 $0x1480;
	s26 =	sadd.s32 $0x100, s19  }
0x151: {  	[tilespmem:s28], [sflag:$0x1] =	stream.linear.gather [hbm4b:s26+s2], $0x800, $0x38;
	[tilespmem:$0x1E000] =	vst v63  }
0x152: {  	s26 =	sadd.s32 $0x200, s19;
	s28 =	simm.s32 $0x2880  }
0x153: {  	[tilespmem:s28], [sflag:$0x1] =	stream.linear.gather [hbm4b:s26+s2], $0x800, $0x38;
	[tilespmem:$0x1E000] =	vst v63  }
0x154: {  	s26 =	sadd.s32 $0x300, s19;
	s28 =	simm.s32 $0x3C80  }
0x155: {  	[tilespmem:s28], [sflag:$0x1] =	stream.linear.gather [hbm4b:s26+s2], $0x800, $0x38;
	[tilespmem:$0x1E000] =	vst v63  }
0x156: {  	s26 =	sadd.s32 $0x400, s19;
	s28 =	simm.s32 $0x5080  }
0x157: {  	[tilespmem:s28], [sflag:$0x1] =	stream.linear.gather [hbm4b:s26+s2], $0x800, $0x38;
	[tilespmem:$0x1E000] =	vst v63  }
0x158: {  	s26 =	sadd.s32 $0x500, s19;
	s28 =	simm.s32 $0x6480  }
0x159: {  	[tilespmem:s28], [sflag:$0x1] =	stream.linear.gather [hbm4b:s26+s2], $0x800, $0x38;
	[tilespmem:$0x1E000] =	vst v63  }
0x15a: {  	s26 =	sadd.s32 $0x600, s19;
	s28 =	simm.s32 $0x7880  }
0x15b: {  	[tilespmem:s28], [sflag:$0x1] =	stream.linear.gather [hbm4b:s26+s2], $0x800, $0x38;
	[tilespmem:$0x1E000] =	vst v63  }
0x15c: {  	s19 =	sadd.s32 $0x700, s19;
	s26 =	simm.s32 $0x8C80  }
0x15d: {  	[tilespmem:s26], [sflag:$0x1] =	stream.linear.gather [hbm4b:s19+s2], $0x800, $0x38;
	[tilespmem:$0x1E000] =	vst v63  }
0x15e: {  	s26 =	rddreg [dreg:$0x16]  }
0x15f: {  	s19 =	sadd.s32 s14, s26;
	s26 =	simm.s32 $0x880  }
0x160: {  	[tilespmem:s26], [sflag:$0x1] =	stream.linear.gather [hbm4b:s19+s2], $0x800, $0x38;
	[tilespmem:$0x1E000] =	vst v63  }
0x161: {  	s28 =	simm.s32 $0x1C80;
	s26 =	sadd.s32 $0x100, s19  }
0x162: {  	[tilespmem:s28], [sflag:$0x1] =	stream.linear.gather [hbm4b:s26+s2], $0x800, $0x38;
	[tilespmem:$0x1E000] =	vst v63  }
0x163: {  	s26 =	sadd.s32 $0x200, s19;
	s28 =	simm.s32 $0x3080  }
0x164: {  	[tilespmem:s28], [sflag:$0x1] =	stream.linear.gather [hbm4b:s26+s2], $0x800, $0x38;
	[tilespmem:$0x1E000] =	vst v63  }
0x165: {  	s26 =	sadd.s32 $0x300, s19;
	s28 =	simm.s32 $0x4480  }
0x166: {  	[tilespmem:s28], [sflag:$0x1] =	stream.linear.gather [hbm4b:s26+s2], $0x800, $0x38;
	[tilespmem:$0x1E000] =	vst v63  }
0x167: {  	s26 =	sadd.s32 $0x400, s19;
	s28 =	simm.s32 $0x5880  }
0x168: {  	[tilespmem:s28], [sflag:$0x1] =	stream.linear.gather [hbm4b:s26+s2], $0x800, $0x38;
	[tilespmem:$0x1E000] =	vst v63  }
0x169: {  	s26 =	sadd.s32 $0x500, s19;
	s28 =	simm.s32 $0x6C80  }
0x16a: {  	[tilespmem:s28], [sflag:$0x1] =	stream.linear.gather [hbm4b:s26+s2], $0x800, $0x38;
	[tilespmem:$0x1E000] =	vst v63  }
0x16b: {  	s26 =	sadd.s32 $0x600, s19;
	s28 =	simm.s32 $0x8080  }
0x16c: {  	[tilespmem:s28], [sflag:$0x1] =	stream.linear.gather [hbm4b:s26+s2], $0x800, $0x38;
	[tilespmem:$0x1E000] =	vst v63  }
0x16d: {  	s19 =	sadd.s32 $0x700, s19;
	s28 =	simm.s32 $0xA000;
	s26 =	simm.s32 $0x9480  }
0x16e: {  	[tilespmem:s26], [sflag:$0x1] =	stream.linear.gather [hbm4b:s19+s2], $0x800, $0x38;
	[tilespmem:$0x1E000] =	vst v63  }
.LBB2_4:
0x16f: {  	_ =	swait.ge [sflag:s18], $0x400  }
0x170: {  	[sflag:s18] =	ssyncset.done $0x0  }
0x171: {  	[sflag:s18] =	ssyncadd.s32 $0xFFFFFC00  }
0x172: {  	_ =	swait.ge [sflag:s18], $0x4000  }
0x173: {  	[sflag:s18] =	ssyncset.done $0x0  }
0x174: {  	[sflag:s18] =	ssyncadd.s32 $0xFFFFC000  }
0x175: {  	_ =	swait.ge [sflag:s18], $0x4000  }
0x176: {  	[sflag:s18] =	ssyncset.done $0x0  }
0x177: {  	s19 =	sadd.s32 $0x1400, s16;
	[sflag:s18] =	ssyncadd.s32 $0xFFFFC000  }
0x178: {  	[hbm4b:s19+s2] =	stream.linear.scatter [tilespmem:s28], [sflag:$0x5], $0x1080, $0x38;
	[tilespmem:$0x1E000] =	vst v63  }
0x179: {  	s26 =	simm.s32 $0xB400;
	s19 =	sadd.s32 $0x1680, s16  }
0x17a: {  	[hbm4b:s19+s2] =	stream.linear.scatter [tilespmem:s26], [sflag:$0x5], $0x1080, $0x38;
	[tilespmem:$0x1E000] =	vst v63  }
0x17b: {  	s19 =	sadd.s32 $0x1900, s16;
	s26 =	simm.s32 $0xC800  }
0x17c: {  	[hbm4b:s19+s2] =	stream.linear.scatter [tilespmem:s26], [sflag:$0x5], $0x1080, $0x38;
	[tilespmem:$0x1E000] =	vst v63  }
0x17d: {  	s26 =	sadd.s32 $0x1B80, s16  }
0x17e: {  	[hbm4b:s26+s2] =	stream.linear.scatter [tilespmem:s24], [sflag:$0x5], $0x1080, $0x38;
	[tilespmem:$0x1E000] =	vst v63  }
0x17f: {  	s26 =	sadd.s32 $0x1E00, s16  }
0x180: {  	[hbm4b:s26+s2] =	stream.linear.scatter [tilespmem:s29], [sflag:$0x5], $0x1080, $0x38;
	[tilespmem:$0x1E000] =	vst v63  }
0x181: {  	s26 =	sadd.s32 $0x2080, s16  }
0x182: {  	[hbm4b:s26+s2] =	stream.linear.scatter [tilespmem:s25], [sflag:$0x5], $0x1080, $0x38;
	[tilespmem:$0x1E000] =	vst v63  }
.Ltmp5:
0x183: {  	_ = 	snop;
	(pc) =	sbr.rel @p1 .LBB2_6-.Ltmp5, $4  }
0x184: {  	s26 =	sadd.s32 $0x2300, s16  }
0x185: {  	[hbm4b:s26+s2] =	stream.linear.scatter [tilespmem:s30], [sflag:$0x5], $0x1080, $0x38;
	[tilespmem:$0x1E000] =	vst v63  }
0x186: {  	s26 =	sadd.s32 $0x2580, s16  }
0x187: {  	[hbm4b:s26+s2] =	stream.linear.scatter [tilespmem:s31], [sflag:$0x5], $0x1080, $0x38;
	[tilespmem:$0x1E000] =	vst v63  }
0x188: {  	_ =	swait.ge [sflag:s9], $0x8400  }
0x189: {  	[sflag:s9] =	ssyncset.done $0x0  }
0x18a: {  	[sflag:s9] =	ssyncadd.s32 $0xFFFF7C00  }
0x18b: {  	[tilespmem:s28], [sflag:$0x2] =	stream.linear.gather [hbm4b:s12+s2], $0x80, $0x38;
	[tilespmem:$0x1E000] =	vst v63  }
0x18c: {  	s19 =	sadd.s32 $0x10, s12;
	s26 =	simm.s32 $0xB400  }
0x18d: {  	[tilespmem:s26], [sflag:$0x2] =	stream.linear.gather [hbm4b:s19+s2], $0x80, $0x38;
	[tilespmem:$0x1E000] =	vst v63  }
0x18e: {  	s21 =	simm.s32 $0xC800;
	s26 =	sadd.s32 $0x20, s12  }
0x18f: {  	[tilespmem:s21], [sflag:$0x2] =	stream.linear.gather [hbm4b:s26+s2], $0x80, $0x38;
	[tilespmem:$0x1E000] =	vst v63  }
0x190: {  	s21 =	sadd.s32 $0x30, s12  }
0x191: {  	[tilespmem:s24], [sflag:$0x2] =	stream.linear.gather [hbm4b:s21+s2], $0x80, $0x38;
	[tilespmem:$0x1E000] =	vst v63  }
0x192: {  	s26 =	sadd.s32 $0x40, s12  }
0x193: {  	[tilespmem:s29], [sflag:$0x2] =	stream.linear.gather [hbm4b:s26+s2], $0x80, $0x38;
	[tilespmem:$0x1E000] =	vst v63  }
0x194: {  	s21 =	sadd.s32 $0x50, s12  }
0x195: {  	[tilespmem:s25], [sflag:$0x2] =	stream.linear.gather [hbm4b:s21+s2], $0x80, $0x38;
	[tilespmem:$0x1E000] =	vst v63  }
0x196: {  	s24 =	sadd.s32 $0x60, s12  }
0x197: {  	[tilespmem:s30], [sflag:$0x2] =	stream.linear.gather [hbm4b:s24+s2], $0x80, $0x38;
	[tilespmem:$0x1E000] =	vst v63  }
0x198: {  	s26 =	rddreg [dreg:$0x12];
	s25 =	sadd.s32 $0x70, s12  }
0x199: {  	[tilespmem:s31], [sflag:$0x2] =	stream.linear.gather [hbm4b:s25+s2], $0x80, $0x38;
	[tilespmem:$0x1E000] =	vst v63  }
0x19a: {  	s19 =	sadd.s32 s14, s26;
	s21 =	simm.s32 $0xA080  }
0x19b: {  	[tilespmem:s21], [sflag:$0x2] =	stream.linear.gather [hbm4b:s19+s2], $0x800, $0x38;
	[tilespmem:$0x1E000] =	vst v63  }
0x19c: {  	s24 =	sadd.s32 $0x100, s19;
	s25 =	simm.s32 $0xB480  }
0x19d: {  	[tilespmem:s25], [sflag:$0x2] =	stream.linear.gather [hbm4b:s24+s2], $0x800, $0x38;
	[tilespmem:$0x1E000] =	vst v63  }
0x19e: {  	s29 =	simm.s32 $0xC880;
	s21 =	sadd.s32 $0x200, s19  }
0x19f: {  	[tilespmem:s29], [sflag:$0x2] =	stream.linear.gather [hbm4b:s21+s2], $0x800, $0x38;
	[tilespmem:$0x1E000] =	vst v63  }
0x1a0: {  	s25 =	sadd.s32 $0x300, s19;
	s21 =	simm.s32 $0xDC80  }
0x1a1: {  	[tilespmem:s21], [sflag:$0x2] =	stream.linear.gather [hbm4b:s25+s2], $0x800, $0x38;
	[tilespmem:$0x1E000] =	vst v63  }
0x1a2: {  	s30 =	simm.s32 $0xF080;
	s21 =	sadd.s32 $0x400, s19  }
0x1a3: {  	[tilespmem:s30], [sflag:$0x2] =	stream.linear.gather [hbm4b:s21+s2], $0x800, $0x38;
	[tilespmem:$0x1E000] =	vst v63  }
0x1a4: {  	s31 =	simm.s32 $0x10480;
	s21 =	sadd.s32 $0x500, s19  }
0x1a5: {  	[tilespmem:s31], [sflag:$0x2] =	stream.linear.gather [hbm4b:s21+s2], $0x800, $0x38;
	[tilespmem:$0x1E000] =	vst v63  }
0x1a6: {  	s26 =	sadd.s32 $0x600, s19;
	s21 =	smov.u32 s23  }
0x1a7: {  	s23 =	smov.u32 s22;
	s22 =	smov.u32 s15;
	s15 =	simm.s32 $0x11880  }
0x1a8: {  	[tilespmem:s15], [sflag:$0x2] =	stream.linear.gather [hbm4b:s26+s2], $0x800, $0x38;
	[tilespmem:$0x1E000] =	vst v63  }
0x1a9: {  	s19 =	sadd.s32 $0x700, s19;
	s15 =	smov.u32 s22;
	s22 =	smov.u32 s23  }
0x1aa: {  	s23 =	smov.u32 s21;
	s26 =	simm.s32 $0x12C80;
	s21 =	rddreg [dreg:$0x13]  }
0x1ab: {  	[tilespmem:s26], [sflag:$0x2] =	stream.linear.gather [hbm4b:s19+s2], $0x800, $0x38;
	[tilespmem:$0x1E000] =	vst v63  }
0x1ac: {  	s19 =	sadd.s32 s14, s21;
	s26 =	simm.s32 $0xA880  }
0x1ad: {  	[tilespmem:s26], [sflag:$0x2] =	stream.linear.gather [hbm4b:s19+s2], $0x800, $0x38;
	[tilespmem:$0x1E000] =	vst v63  }
0x1ae: {  	s21 =	simm.s32 $0xBC80;
	s26 =	sadd.s32 $0x100, s19  }
0x1af: {  	[tilespmem:s21], [sflag:$0x2] =	stream.linear.gather [hbm4b:s26+s2], $0x800, $0x38;
	[tilespmem:$0x1E000] =	vst v63  }
0x1b0: {  	s26 =	sadd.s32 $0x200, s19;
	s21 =	simm.s32 $0xD080  }
0x1b1: {  	[tilespmem:s21], [sflag:$0x2] =	stream.linear.gather [hbm4b:s26+s2], $0x800, $0x38;
	[tilespmem:$0x1E000] =	vst v63  }
0x1b2: {  	s26 =	sadd.s32 $0x300, s19;
	s21 =	simm.s32 $0xE480  }
0x1b3: {  	[tilespmem:s21], [sflag:$0x2] =	stream.linear.gather [hbm4b:s26+s2], $0x800, $0x38;
	[tilespmem:$0x1E000] =	vst v63  }
0x1b4: {  	s24 =	simm.s32 $0xDC00;
	s26 =	sadd.s32 $0x400, s19;
	s21 =	simm.s32 $0xF880  }
0x1b5: {  	[tilespmem:s21], [sflag:$0x2] =	stream.linear.gather [hbm4b:s26+s2], $0x800, $0x38;
	[tilespmem:$0x1E000] =	vst v63  }
0x1b6: {  	s29 =	simm.s32 $0xF000;
	s26 =	sadd.s32 $0x500, s19;
	s21 =	simm.s32 $0x10C80  }
0x1b7: {  	[tilespmem:s21], [sflag:$0x2] =	stream.linear.gather [hbm4b:s26+s2], $0x800, $0x38;
	[tilespmem:$0x1E000] =	vst v63  }
.Ltmp6:
0x1b8: {  	s25 =	simm.s32 $0x10400;
	s30 =	simm.s32 $0x11800;
	(pc) =	sbr.rel .LBB2_6-.Ltmp6, $4  }
0x1b9: {  	s31 =	simm.s32 $0x12C00;
	s26 =	sadd.s32 $0x600, s19;
	s21 =	simm.s32 $0x12080  }
0x1ba: {  	[tilespmem:s21], [sflag:$0x2] =	stream.linear.gather [hbm4b:s26+s2], $0x800, $0x38;
	[tilespmem:$0x1E000] =	vst v63  }
0x1bb: {  	s19 =	sadd.s32 $0x700, s19;
	s26 =	simm.s32 $0x13480;
	s21 =	simm.s32 $0x14080  }
0x1bc: {  	[tilespmem:s26], [sflag:$0x2] =	stream.linear.gather [hbm4b:s19+s2], $0x800, $0x38;
	[tilespmem:$0x1E000] =	vst v63  }
.LBB2_8:
0x1bd: {  	_ =	sfence.sel $0x180000  }
0x1be: {  	[bflag:$0x0] =	sbarrier.arrive $0xFFFF  }
0x1bf: {  	_ =	strace $0x90000047  }
0x1c0: {  	s0 =	stileid.u32;
	[bflag:$0x2] =	sbarrier.arrive $0xFFFF  }
0x1c1: {  	p0 =	sne.s32 s0, $0x0;
	s0 =	rddreg [dreg:$0x4]  }
0x1c2: {  	s0 =	sadd.s32 @!p0 $0x100000, s0  }
0x1c3: {  	[sflag:s0] =	ssyncadd.tile.s32 @!p0 $0x1;
	_ =	shalt  }
.Lfunc_end2:
_tile_overlayer_lowered:
.L_overlay_start_2:
0x1c4: {  	(tag) =	ssettag $0x2  }
0x1c5: {  	s0 =	rddreg [dreg:$0x0];
	s2 =	stileid.u32  }
0x1c6: {  	s1 =	rddreg [dreg:$0x1];
	p0 =	sne.s32 s2, $0x0  }
0x1c7: {  	s3 =	rddreg [dreg:$0x2];
	[bflag:$0x3] =	sbarrier.arrive $0xFFFF;
	s2 =	simm.s32 @!p0 $0x1C07  }
0x1c8: {  	[timem:s3], [sflag:s2] =	dma.local @!p0 [hbm:s0], s1  }
0x1c9: {  	s0 =	simm.s32 @!p0 $0x7  }
0x1ca: {  	_ =	swait.ge @!p0 [sflag:s0], s1  }
0x1cb: {  	s1 =	ssub.s32 @!p0 $0x0, s1;
	[sflag:s0] =	ssyncset.done @!p0 $0x0  }
0x1cc: {  	[sflag:s0] =	ssyncadd.s32 @!p0 s1  }
0x1cd: {  	[bflag:$0x3] =	sbarrier.arrive $0xFFFF  }
0x1ce: {  	_ =	shalt  }

</sc_bundles>
